<compile_context>
chip_gen: v7x
topology: tpu7x:2x2x1
jax: 0.10.2.dev20260603
libtpu: 0.0.44.dev20260713+nightly
codegen_flags: <defaults>
</compile_context>

<pallas_src>
import jax
import jax.numpy as jnp
from jax import lax
from jax.experimental import pallas as pl
from jax.experimental.pallas import tpu as pltpu
from jax.experimental.pallas import tpu_sc as plsc


def _make_sc_kernel(B, S, D, GATHER, CSEQ):
    NC, NS = 2, 16
    NW = NC * NS
    ROWS = B * S
    RPW = ROWS // NW
    SEQ_PER_W = RPW // S
    NCHUNK = SEQ_PER_W // CSEQ
    CROWS = CSEQ * S
    GPC = CROWS // GATHER
    GROWS_PER_W = RPW // GATHER

    assert RPW % S == 0 and SEQ_PER_W % CSEQ == 0 and CROWS % GATHER == 0
    assert GATHER <= 128 and NCHUNK % 2 == 0

    mesh = plsc.VectorSubcoreMesh(core_axis_name="c", subcore_axis_name="s")

    def body(x_hbm, tok_hbm, pos_hbm, out_hbm,
             idx_v, pos_v, rows0, rows1, gsem, osem):
        tok = tok_hbm
        wid = lax.axis_index("s") * NC + lax.axis_index("c")
        grow0 = wid * GROWS_PER_W
        seq0 = wid * SEQ_PER_W
        pltpu.sync_copy(x_hbm.at[pl.ds(grow0, GROWS_PER_W)], idx_v)
        pltpu.sync_copy(pos_hbm, pos_v)

        bufs = (rows0, rows1)

        def fire_gathers(c, buf):
            for g in range(GPC):
                pltpu.async_copy(
                    tok.at[idx_v.at[c * GPC + g]],
                    buf.at[g // 2, pl.ds((g % 2) * GATHER, GATHER)], gsem)

        def wait_gathers(c, buf):
            for g in range(GPC):
                pltpu.make_async_copy(
                    tok.at[idx_v.at[c * GPC + g]],
                    buf.at[g // 2, pl.ds((g % 2) * GATHER, GATHER)],
                    gsem).wait()

        def out_slice(c):
            return out_hbm.at[pl.ds(seq0 + c * CSEQ, CSEQ), :, pl.ds(0, D)]

        def add_pos(buf):
            @pl.loop(0, S)
            def _(i):
                for h in range(0, D, 16):
                    p = pos_v[i, pl.ds(h, 16)]
                    for q in range(CSEQ):
                        sl = (q, i, pl.ds(h, 16))
                        buf[sl] = buf[sl] + p

        fire_gathers(0, bufs[0])

        @pl.loop(0, NCHUNK, step=2)
        def _(c0):
            for p in range(2):
                c = c0 + p
                cur, nxt = bufs[p], bufs[1 - p]
                wait_gathers(c, cur)
                @pl.when(c > 0)
                def _():
                    pltpu.make_async_copy(nxt, out_slice(c - 1), osem).wait()

                @pl.when(c < NCHUNK - 1)
                def _():
                    fire_gathers(c + 1, nxt)

                add_pos(cur)
                pltpu.async_copy(cur, out_slice(c), osem)

        pltpu.make_async_copy(bufs[(NCHUNK - 1) % 2],
                              out_slice(NCHUNK - 1), osem).wait()

    return pl.kernel(
        body,
        out_type=jax.ShapeDtypeStruct((B, S, 128), jnp.float32),
        mesh=mesh,
        scratch_types=[
            pltpu.VMEM((GROWS_PER_W, GATHER), jnp.int32),
            pltpu.VMEM((S, D), jnp.float32),
            pltpu.VMEM((CSEQ, S, D), jnp.float32),
            pltpu.VMEM((CSEQ, S, D), jnp.float32),
            pltpu.SemaphoreType.DMA,
            pltpu.SemaphoreType.DMA,
        ],
        compiler_params=pltpu.CompilerParams(use_tc_tiling_on_sc=False),
    )


@jax.jit
def kernel(x, token_table, pos_table):
    B, S = x.shape
    V, D = token_table.shape
    GATHER = 100
    CSEQ = 4
    x2d = x.reshape(B * S // GATHER, GATHER).astype(jnp.int32)
    tt128 = lax.optimization_barrier(token_table.reshape(V * D // 128, 128))
    tt = tt128.reshape(V, D)
    sc = _make_sc_kernel(B, S, D, GATHER, CSEQ)
    out = sc(x2d, tt, pos_table)
    return out[:, :, :D]

# --- scband reference (transcript-rebuilt; emitter-appended) ---
"""Pipeline reference for scband-positional-embedding-9672266350993 (READ-ONLY COPY).

The authoritative reference and input builder live on the scoring server;
editing this copy changes nothing except your own understanding.
"""

import jax, jax.numpy as jnp
import numpy as np

VOCAB = 1000000
MAX_LEN = 200
EMBED_DIM = 32
BATCH = 4096
SEQ = 200


def setup_inputs(seed: int = 0) -> dict:
    key = jax.random.key(seed)
    k1, k2, k3 = jax.random.split(key, 3)
    x = jax.random.randint(k1, (BATCH, SEQ), 0, VOCAB, dtype=jnp.int64) if jax.config.jax_enable_x64 else jax.random.randint(k1, (BATCH, SEQ), 0, VOCAB, dtype=jnp.int32)
    token_table = jax.random.normal(k2, (VOCAB, EMBED_DIM), dtype=jnp.float32) * 0.02
    pos_table = jax.random.normal(k3, (MAX_LEN, EMBED_DIM), dtype=jnp.float32) * 0.02
    return {"x": x, "token_table": token_table, "pos_table": pos_table}


def reference(x, token_table, pos_table):
    # token embedding gather
    embedded = jnp.take(token_table, x, axis=0)  # [B, S, D]
    # positional embedding for positions 0..S-1
    seq_len = x.shape[-1]
    positions = jnp.arange(seq_len)
    pos = jnp.take(pos_table, positions, axis=0)  # [S, D]
    return embedded + pos[None, :, :]

if __name__ == "__main__":
    import jax
    _d = setup_inputs()
    print(jax.jit(kernel)(*tuple(_d.values())))

</pallas_src>

<mosaic_0001>
#map = affine_map<(d0, d1) -> (0, 0)>
#map1 = affine_map<(d0, d1) -> (0, 0, 0)>
module attributes {stable_mosaic.version = 14 : i64} {
  func.func @body(%arg0: i32, %arg1: i32, %arg2: memref<8192x100xi32, #tpu.memory_space<hbm>>, %arg3: memref<1000000x32xf32, #tpu.memory_space<hbm>>, %arg4: memref<200x32xf32, #tpu.memory_space<hbm>>, %arg5: memref<4096x200x128xf32, #tpu.memory_space<hbm>>, %arg6: memref<256x100xi32, #tpu.memory_space<vmem>>, %arg7: memref<200x32xf32, #tpu.memory_space<vmem>>, %arg8: memref<4x200x32xf32, #tpu.memory_space<vmem>>, %arg9: memref<4x200x32xf32, #tpu.memory_space<vmem>>, %arg10: memref<!tpu.dma_semaphore, #tpu.memory_space<semaphore_mem>>, %arg11: memref<!tpu.dma_semaphore, #tpu.memory_space<semaphore_mem>>) attributes {dimension_semantics = [#tpu.dimension_semantics<core_parallel>, #tpu.dimension_semantics<subcore_parallel>], iteration_bounds = array<i64: 2, 16>, scalar_prefetch = 0 : i64, scratch_operands = 6 : i64, tpu.core_type = #tpu.core_type<sc_vector_subcore>, window_params = [{transform_indices = #map}, {transform_indices = #map}, {transform_indices = #map}, {transform_indices = #map1}]} {
    %mul3A = arith.constant 2 : i32
    %mul3A_0 = arith.muli %arg1, %mul3A : i32
    %add3A = arith.addi %mul3A_0, %arg0 : i32
    %mul3A_1 = arith.constant 256 : i32
    %mul3A_2 = arith.muli %add3A, %mul3A_1 : i32
    %mul3A_3 = arith.constant 128 : i32
    %mul3A_4 = arith.muli %add3A, %mul3A_3 : i32
    "tpu.region"() ({
      %run_scoped3A = tpu.sem_alloc : memref<!tpu.dma_semaphore, #tpu.memory_space<semaphore_mem>>
      %dma_start3A_111 = arith.constant 0 : i32
      %dma_start3A_112 = tpu.memref_slice %arg2[%mul3A_2, %dma_start3A_111] : memref<8192x100xi32, #tpu.memory_space<hbm>> -> memref<256x100xi32, #tpu.memory_space<hbm>>
      %dma_start3A_113 = arith.constant 0 : i32
      %dma_start3A_114 = tpu.memref_slice %arg2[%mul3A_2, %dma_start3A_113] : memref<8192x100xi32, #tpu.memory_space<hbm>> -> memref<256x100xi32, #tpu.memory_space<hbm>>
      tpu.enqueue_dma source(%dma_start3A_114 : memref<256x100xi32, #tpu.memory_space<hbm>>) target(%arg6 : memref<256x100xi32, #tpu.memory_space<vmem>>) target_semaphore(%run_scoped3A : memref<!tpu.dma_semaphore, #tpu.memory_space<semaphore_mem>>)
      %dma_wait3A_115 = arith.constant 0 : i32
      %dma_wait3A_116 = tpu.memref_slice %arg2[%mul3A_2, %dma_wait3A_115] : memref<8192x100xi32, #tpu.memory_space<hbm>> -> memref<256x100xi32, #tpu.memory_space<hbm>>
      %dma_wait3A_117 = arith.constant 0 : i32
      %dma_wait3A_118 = tpu.memref_slice %arg2[%mul3A_2, %dma_wait3A_117] : memref<8192x100xi32, #tpu.memory_space<hbm>> -> memref<256x100xi32, #tpu.memory_space<hbm>>
      tpu.wait_dma2 semaphore(%run_scoped3A : memref<!tpu.dma_semaphore, #tpu.memory_space<semaphore_mem>>) src(%dma_wait3A_118 : memref<256x100xi32, #tpu.memory_space<hbm>>) dst(%arg6 : memref<256x100xi32, #tpu.memory_space<vmem>>)
      tpu.yield
    }) : () -> ()
    "tpu.region"() ({
      %run_scoped3A = tpu.sem_alloc : memref<!tpu.dma_semaphore, #tpu.memory_space<semaphore_mem>>
      tpu.enqueue_dma source(%arg4 : memref<200x32xf32, #tpu.memory_space<hbm>>) target(%arg7 : memref<200x32xf32, #tpu.memory_space<vmem>>) target_semaphore(%run_scoped3A : memref<!tpu.dma_semaphore, #tpu.memory_space<semaphore_mem>>)
      tpu.wait_dma2 semaphore(%run_scoped3A : memref<!tpu.dma_semaphore, #tpu.memory_space<semaphore_mem>>) src(%arg4 : memref<200x32xf32, #tpu.memory_space<hbm>>) dst(%arg7 : memref<200x32xf32, #tpu.memory_space<vmem>>)
      tpu.yield
    }) : () -> ()
    %dma_start3A = arith.constant 0 : i32
    %dma_start3A_5 = arith.constant 0 : i32
    %dma_start3A_6 = arith.constant 0 : i32
    %dma_start3A_7 = arith.constant 0 : i32
    %dma_start3A_8 = tpu.memref_slice %arg8[%dma_start3A_5, %dma_start3A_6, %dma_start3A_7] : memref<4x200x32xf32, #tpu.memory_space<vmem>> -> memref<1x100x32xf32, #tpu.memory_space<vmem>>
    %dma_start3A_9 = tpu.memref_squeeze %dma_start3A_8 : memref<1x100x32xf32, #tpu.memory_space<vmem>> -> memref<100x32xf32, #tpu.memory_space<vmem>>
    %dma_start3A_10 = arith.constant 0 : i32
    %dma_start3A_11 = tpu.memref_slice %arg6[%dma_start3A, %dma_start3A_10] : memref<256x100xi32, #tpu.memory_space<vmem>> -> memref<1x100xi32, #tpu.memory_space<vmem>>
    %dma_start3A_12 = tpu.memref_squeeze %dma_start3A_11 : memref<1x100xi32, #tpu.memory_space<vmem>> -> memref<100xi32, #tpu.memory_space<vmem>>
    %dma_start3A_13 = arith.constant 0 : i32
    %dma_start3A_14 = arith.constant 0 : i32
    %dma_start3A_15 = tpu.memref_slice %arg3[%dma_start3A_13, %dma_start3A_14] : memref<1000000x32xf32, #tpu.memory_space<hbm>> -> memref<1000000x32xf32, #tpu.memory_space<hbm>>
    tpu.enqueue_indirect_dma source(%dma_start3A_15 : memref<1000000x32xf32, #tpu.memory_space<hbm>>) target(%dma_start3A_9 : memref<100x32xf32, #tpu.memory_space<vmem>>) offsets(%dma_start3A_12 : memref<100xi32, #tpu.memory_space<vmem>>) semaphore(%arg10 : memref<!tpu.dma_semaphore, #tpu.memory_space<semaphore_mem>>)
    %dma_start3A_16 = arith.constant 1 : i32
    %dma_start3A_17 = arith.constant 0 : i32
    %dma_start3A_18 = arith.constant 100 : i32
    %dma_start3A_19 = arith.constant 0 : i32
    %dma_start3A_20 = tpu.memref_slice %arg8[%dma_start3A_17, %dma_start3A_18, %dma_start3A_19] : memref<4x200x32xf32, #tpu.memory_space<vmem>> -> memref<1x100x32xf32, #tpu.memory_space<vmem>>
    %dma_start3A_21 = tpu.memref_squeeze %dma_start3A_20 : memref<1x100x32xf32, #tpu.memory_space<vmem>> -> memref<100x32xf32, #tpu.memory_space<vmem>>
    %dma_start3A_22 = arith.constant 0 : i32
    %dma_start3A_23 = tpu.memref_slice %arg6[%dma_start3A_16, %dma_start3A_22] : memref<256x100xi32, #tpu.memory_space<vmem>> -> memref<1x100xi32, #tpu.memory_space<vmem>>
    %dma_start3A_24 = tpu.memref_squeeze %dma_start3A_23 : memref<1x100xi32, #tpu.memory_space<vmem>> -> memref<100xi32, #tpu.memory_space<vmem>>
    %dma_start3A_25 = arith.constant 0 : i32
    %dma_start3A_26 = arith.constant 0 : i32
    %dma_start3A_27 = tpu.memref_slice %arg3[%dma_start3A_25, %dma_start3A_26] : memref<1000000x32xf32, #tpu.memory_space<hbm>> -> memref<1000000x32xf32, #tpu.memory_space<hbm>>
    tpu.enqueue_indirect_dma source(%dma_start3A_27 : memref<1000000x32xf32, #tpu.memory_space<hbm>>) target(%dma_start3A_21 : memref<100x32xf32, #tpu.memory_space<vmem>>) offsets(%dma_start3A_24 : memref<100xi32, #tpu.memory_space<vmem>>) semaphore(%arg10 : memref<!tpu.dma_semaphore, #tpu.memory_space<semaphore_mem>>)
    %dma_start3A_28 = arith.constant 2 : i32
    %dma_start3A_29 = arith.constant 1 : i32
    %dma_start3A_30 = arith.constant 0 : i32
    %dma_start3A_31 = arith.constant 0 : i32
    %dma_start3A_32 = tpu.memref_slice %arg8[%dma_start3A_29, %dma_start3A_30, %dma_start3A_31] : memref<4x200x32xf32, #tpu.memory_space<vmem>> -> memref<1x100x32xf32, #tpu.memory_space<vmem>>
    %dma_start3A_33 = tpu.memref_squeeze %dma_start3A_32 : memref<1x100x32xf32, #tpu.memory_space<vmem>> -> memref<100x32xf32, #tpu.memory_space<vmem>>
    %dma_start3A_34 = arith.constant 0 : i32
    %dma_start3A_35 = tpu.memref_slice %arg6[%dma_start3A_28, %dma_start3A_34] : memref<256x100xi32, #tpu.memory_space<vmem>> -> memref<1x100xi32, #tpu.memory_space<vmem>>
    %dma_start3A_36 = tpu.memref_squeeze %dma_start3A_35 : memref<1x100xi32, #tpu.memory_space<vmem>> -> memref<100xi32, #tpu.memory_space<vmem>>
    %dma_start3A_37 = arith.constant 0 : i32
    %dma_start3A_38 = arith.constant 0 : i32
    %dma_start3A_39 = tpu.memref_slice %arg3[%dma_start3A_37, %dma_start3A_38] : memref<1000000x32xf32, #tpu.memory_space<hbm>> -> memref<1000000x32xf32, #tpu.memory_space<hbm>>
    tpu.enqueue_indirect_dma source(%dma_start3A_39 : memref<1000000x32xf32, #tpu.memory_space<hbm>>) target(%dma_start3A_33 : memref<100x32xf32, #tpu.memory_space<vmem>>) offsets(%dma_start3A_36 : memref<100xi32, #tpu.memory_space<vmem>>) semaphore(%arg10 : memref<!tpu.dma_semaphore, #tpu.memory_space<semaphore_mem>>)
    %dma_start3A_40 = arith.constant 3 : i32
    %dma_start3A_41 = arith.constant 1 : i32
    %dma_start3A_42 = arith.constant 100 : i32
    %dma_start3A_43 = arith.constant 0 : i32
    %dma_start3A_44 = tpu.memref_slice %arg8[%dma_start3A_41, %dma_start3A_42, %dma_start3A_43] : memref<4x200x32xf32, #tpu.memory_space<vmem>> -> memref<1x100x32xf32, #tpu.memory_space<vmem>>
    %dma_start3A_45 = tpu.memref_squeeze %dma_start3A_44 : memref<1x100x32xf32, #tpu.memory_space<vmem>> -> memref<100x32xf32, #tpu.memory_space<vmem>>
    %dma_start3A_46 = arith.constant 0 : i32
    %dma_start3A_47 = tpu.memref_slice %arg6[%dma_start3A_40, %dma_start3A_46] : memref<256x100xi32, #tpu.memory_space<vmem>> -> memref<1x100xi32, #tpu.memory_space<vmem>>
    %dma_start3A_48 = tpu.memref_squeeze %dma_start3A_47 : memref<1x100xi32, #tpu.memory_space<vmem>> -> memref<100xi32, #tpu.memory_space<vmem>>
    %dma_start3A_49 = arith.constant 0 : i32
    %dma_start3A_50 = arith.constant 0 : i32
    %dma_start3A_51 = tpu.memref_slice %arg3[%dma_start3A_49, %dma_start3A_50] : memref<1000000x32xf32, #tpu.memory_space<hbm>> -> memref<1000000x32xf32, #tpu.memory_space<hbm>>
    tpu.enqueue_indirect_dma source(%dma_start3A_51 : memref<1000000x32xf32, #tpu.memory_space<hbm>>) target(%dma_start3A_45 : memref<100x32xf32, #tpu.memory_space<vmem>>) offsets(%dma_start3A_48 : memref<100xi32, #tpu.memory_space<vmem>>) semaphore(%arg10 : memref<!tpu.dma_semaphore, #tpu.memory_space<semaphore_mem>>)
    %dma_start3A_52 = arith.constant 4 : i32
    %dma_start3A_53 = arith.constant 2 : i32
    %dma_start3A_54 = arith.constant 0 : i32
    %dma_start3A_55 = arith.constant 0 : i32
    %dma_start3A_56 = tpu.memref_slice %arg8[%dma_start3A_53, %dma_start3A_54, %dma_start3A_55] : memref<4x200x32xf32, #tpu.memory_space<vmem>> -> memref<1x100x32xf32, #tpu.memory_space<vmem>>
    %dma_start3A_57 = tpu.memref_squeeze %dma_start3A_56 : memref<1x100x32xf32, #tpu.memory_space<vmem>> -> memref<100x32xf32, #tpu.memory_space<vmem>>
    %dma_start3A_58 = arith.constant 0 : i32
    %dma_start3A_59 = tpu.memref_slice %arg6[%dma_start3A_52, %dma_start3A_58] : memref<256x100xi32, #tpu.memory_space<vmem>> -> memref<1x100xi32, #tpu.memory_space<vmem>>
    %dma_start3A_60 = tpu.memref_squeeze %dma_start3A_59 : memref<1x100xi32, #tpu.memory_space<vmem>> -> memref<100xi32, #tpu.memory_space<vmem>>
    %dma_start3A_61 = arith.constant 0 : i32
    %dma_start3A_62 = arith.constant 0 : i32
    %dma_start3A_63 = tpu.memref_slice %arg3[%dma_start3A_61, %dma_start3A_62] : memref<1000000x32xf32, #tpu.memory_space<hbm>> -> memref<1000000x32xf32, #tpu.memory_space<hbm>>
    tpu.enqueue_indirect_dma source(%dma_start3A_63 : memref<1000000x32xf32, #tpu.memory_space<hbm>>) target(%dma_start3A_57 : memref<100x32xf32, #tpu.memory_space<vmem>>) offsets(%dma_start3A_60 : memref<100xi32, #tpu.memory_space<vmem>>) semaphore(%arg10 : memref<!tpu.dma_semaphore, #tpu.memory_space<semaphore_mem>>)
    %dma_start3A_64 = arith.constant 5 : i32
    %dma_start3A_65 = arith.constant 2 : i32
    %dma_start3A_66 = arith.constant 100 : i32
    %dma_start3A_67 = arith.constant 0 : i32
    %dma_start3A_68 = tpu.memref_slice %arg8[%dma_start3A_65, %dma_start3A_66, %dma_start3A_67] : memref<4x200x32xf32, #tpu.memory_space<vmem>> -> memref<1x100x32xf32, #tpu.memory_space<vmem>>
    %dma_start3A_69 = tpu.memref_squeeze %dma_start3A_68 : memref<1x100x32xf32, #tpu.memory_space<vmem>> -> memref<100x32xf32, #tpu.memory_space<vmem>>
    %dma_start3A_70 = arith.constant 0 : i32
    %dma_start3A_71 = tpu.memref_slice %arg6[%dma_start3A_64, %dma_start3A_70] : memref<256x100xi32, #tpu.memory_space<vmem>> -> memref<1x100xi32, #tpu.memory_space<vmem>>
    %dma_start3A_72 = tpu.memref_squeeze %dma_start3A_71 : memref<1x100xi32, #tpu.memory_space<vmem>> -> memref<100xi32, #tpu.memory_space<vmem>>
    %dma_start3A_73 = arith.constant 0 : i32
    %dma_start3A_74 = arith.constant 0 : i32
    %dma_start3A_75 = tpu.memref_slice %arg3[%dma_start3A_73, %dma_start3A_74] : memref<1000000x32xf32, #tpu.memory_space<hbm>> -> memref<1000000x32xf32, #tpu.memory_space<hbm>>
    tpu.enqueue_indirect_dma source(%dma_start3A_75 : memref<1000000x32xf32, #tpu.memory_space<hbm>>) target(%dma_start3A_69 : memref<100x32xf32, #tpu.memory_space<vmem>>) offsets(%dma_start3A_72 : memref<100xi32, #tpu.memory_space<vmem>>) semaphore(%arg10 : memref<!tpu.dma_semaphore, #tpu.memory_space<semaphore_mem>>)
    %dma_start3A_76 = arith.constant 6 : i32
    %dma_start3A_77 = arith.constant 3 : i32
    %dma_start3A_78 = arith.constant 0 : i32
    %dma_start3A_79 = arith.constant 0 : i32
    %dma_start3A_80 = tpu.memref_slice %arg8[%dma_start3A_77, %dma_start3A_78, %dma_start3A_79] : memref<4x200x32xf32, #tpu.memory_space<vmem>> -> memref<1x100x32xf32, #tpu.memory_space<vmem>>
    %dma_start3A_81 = tpu.memref_squeeze %dma_start3A_80 : memref<1x100x32xf32, #tpu.memory_space<vmem>> -> memref<100x32xf32, #tpu.memory_space<vmem>>
    %dma_start3A_82 = arith.constant 0 : i32
    %dma_start3A_83 = tpu.memref_slice %arg6[%dma_start3A_76, %dma_start3A_82] : memref<256x100xi32, #tpu.memory_space<vmem>> -> memref<1x100xi32, #tpu.memory_space<vmem>>
    %dma_start3A_84 = tpu.memref_squeeze %dma_start3A_83 : memref<1x100xi32, #tpu.memory_space<vmem>> -> memref<100xi32, #tpu.memory_space<vmem>>
    %dma_start3A_85 = arith.constant 0 : i32
    %dma_start3A_86 = arith.constant 0 : i32
    %dma_start3A_87 = tpu.memref_slice %arg3[%dma_start3A_85, %dma_start3A_86] : memref<1000000x32xf32, #tpu.memory_space<hbm>> -> memref<1000000x32xf32, #tpu.memory_space<hbm>>
    tpu.enqueue_indirect_dma source(%dma_start3A_87 : memref<1000000x32xf32, #tpu.memory_space<hbm>>) target(%dma_start3A_81 : memref<100x32xf32, #tpu.memory_space<vmem>>) offsets(%dma_start3A_84 : memref<100xi32, #tpu.memory_space<vmem>>) semaphore(%arg10 : memref<!tpu.dma_semaphore, #tpu.memory_space<semaphore_mem>>)
    %dma_start3A_88 = arith.constant 7 : i32
    %dma_start3A_89 = arith.constant 3 : i32
    %dma_start3A_90 = arith.constant 100 : i32
    %dma_start3A_91 = arith.constant 0 : i32
    %dma_start3A_92 = tpu.memref_slice %arg8[%dma_start3A_89, %dma_start3A_90, %dma_start3A_91] : memref<4x200x32xf32, #tpu.memory_space<vmem>> -> memref<1x100x32xf32, #tpu.memory_space<vmem>>
    %dma_start3A_93 = tpu.memref_squeeze %dma_start3A_92 : memref<1x100x32xf32, #tpu.memory_space<vmem>> -> memref<100x32xf32, #tpu.memory_space<vmem>>
    %dma_start3A_94 = arith.constant 0 : i32
    %dma_start3A_95 = tpu.memref_slice %arg6[%dma_start3A_88, %dma_start3A_94] : memref<256x100xi32, #tpu.memory_space<vmem>> -> memref<1x100xi32, #tpu.memory_space<vmem>>
    %dma_start3A_96 = tpu.memref_squeeze %dma_start3A_95 : memref<1x100xi32, #tpu.memory_space<vmem>> -> memref<100xi32, #tpu.memory_space<vmem>>
    %dma_start3A_97 = arith.constant 0 : i32
    %dma_start3A_98 = arith.constant 0 : i32
    %dma_start3A_99 = tpu.memref_slice %arg3[%dma_start3A_97, %dma_start3A_98] : memref<1000000x32xf32, #tpu.memory_space<hbm>> -> memref<1000000x32xf32, #tpu.memory_space<hbm>>
    tpu.enqueue_indirect_dma source(%dma_start3A_99 : memref<1000000x32xf32, #tpu.memory_space<hbm>>) target(%dma_start3A_93 : memref<100x32xf32, #tpu.memory_space<vmem>>) offsets(%dma_start3A_96 : memref<100xi32, #tpu.memory_space<vmem>>) semaphore(%arg10 : memref<!tpu.dma_semaphore, #tpu.memory_space<semaphore_mem>>)
    %scan3A = arith.constant 0 : i32
    %scan3A_100 = arith.constant 16 : i32
    %scan3A_101 = arith.addi %scan3A, %scan3A_100 : i32
    %scan3A_102 = arith.constant 1 : i32
    scf.for %scan3A_111 = %scan3A to %scan3A_101 step %scan3A_102  : i32 {
      %mul3A_112 = arith.constant 2 : i32
      %mul3A_113 = arith.muli %scan3A_111, %mul3A_112 : i32
      %add3A_114 = arith.constant 0 : i32
      %add3A_115 = arith.addi %add3A_114, %mul3A_113 : i32
      %add3A_116 = arith.constant 0 : i32
      %add3A_117 = arith.addi %add3A_115, %add3A_116 : i32
      %mul3A_118 = arith.constant 8 : i32
      %mul3A_119 = arith.muli %add3A_117, %mul3A_118 : i32
      %add3A_120 = arith.constant 0 : i32
      %add3A_121 = arith.addi %mul3A_119, %add3A_120 : i32
      %dma_wait3A_122 = arith.constant 0 : i32
      %dma_wait3A_123 = arith.constant 0 : i32
      %dma_wait3A_124 = arith.constant 0 : i32
      %dma_wait3A_125 = tpu.memref_slice %arg8[%dma_wait3A_122, %dma_wait3A_123, %dma_wait3A_124] : memref<4x200x32xf32, #tpu.memory_space<vmem>> -> memref<1x100x32xf32, #tpu.memory_space<vmem>>
      %dma_wait3A_126 = tpu.memref_squeeze %dma_wait3A_125 : memref<1x100x32xf32, #tpu.memory_space<vmem>> -> memref<100x32xf32, #tpu.memory_space<vmem>>
      %dma_wait3A_127 = arith.constant 0 : i32
      %dma_wait3A_128 = tpu.memref_slice %arg6[%add3A_121, %dma_wait3A_127] : memref<256x100xi32, #tpu.memory_space<vmem>> -> memref<1x100xi32, #tpu.memory_space<vmem>>
      %dma_wait3A_129 = tpu.memref_squeeze %dma_wait3A_128 : memref<1x100xi32, #tpu.memory_space<vmem>> -> memref<100xi32, #tpu.memory_space<vmem>>
      %dma_wait3A_130 = arith.constant 0 : i32
      %dma_wait3A_131 = arith.constant 0 : i32
      %dma_wait3A_132 = tpu.memref_slice %arg3[%dma_wait3A_130, %dma_wait3A_131] : memref<1000000x32xf32, #tpu.memory_space<hbm>> -> memref<1000000x32xf32, #tpu.memory_space<hbm>>
      tpu.wait_indirect_dma semaphore(%arg10 : memref<!tpu.dma_semaphore, #tpu.memory_space<semaphore_mem>>) src(%dma_wait3A_132 : memref<1000000x32xf32, #tpu.memory_space<hbm>>) dst(%dma_wait3A_126 : memref<100x32xf32, #tpu.memory_space<vmem>>)
      %mul3A_133 = arith.constant 8 : i32
      %mul3A_134 = arith.muli %add3A_117, %mul3A_133 : i32
      %add3A_135 = arith.constant 1 : i32
      %add3A_136 = arith.addi %mul3A_134, %add3A_135 : i32
      %dma_wait3A_137 = arith.constant 0 : i32
      %dma_wait3A_138 = arith.constant 100 : i32
      %dma_wait3A_139 = arith.constant 0 : i32
      %dma_wait3A_140 = tpu.memref_slice %arg8[%dma_wait3A_137, %dma_wait3A_138, %dma_wait3A_139] : memref<4x200x32xf32, #tpu.memory_space<vmem>> -> memref<1x100x32xf32, #tpu.memory_space<vmem>>
      %dma_wait3A_141 = tpu.memref_squeeze %dma_wait3A_140 : memref<1x100x32xf32, #tpu.memory_space<vmem>> -> memref<100x32xf32, #tpu.memory_space<vmem>>
      %dma_wait3A_142 = arith.constant 0 : i32
      %dma_wait3A_143 = tpu.memref_slice %arg6[%add3A_136, %dma_wait3A_142] : memref<256x100xi32, #tpu.memory_space<vmem>> -> memref<1x100xi32, #tpu.memory_space<vmem>>
      %dma_wait3A_144 = tpu.memref_squeeze %dma_wait3A_143 : memref<1x100xi32, #tpu.memory_space<vmem>> -> memref<100xi32, #tpu.memory_space<vmem>>
      %dma_wait3A_145 = arith.constant 0 : i32
      %dma_wait3A_146 = arith.constant 0 : i32
      %dma_wait3A_147 = tpu.memref_slice %arg3[%dma_wait3A_145, %dma_wait3A_146] : memref<1000000x32xf32, #tpu.memory_space<hbm>> -> memref<1000000x32xf32, #tpu.memory_space<hbm>>
      tpu.wait_indirect_dma semaphore(%arg10 : memref<!tpu.dma_semaphore, #tpu.memory_space<semaphore_mem>>) src(%dma_wait3A_147 : memref<1000000x32xf32, #tpu.memory_space<hbm>>) dst(%dma_wait3A_141 : memref<100x32xf32, #tpu.memory_space<vmem>>)
      %mul3A_148 = arith.constant 8 : i32
      %mul3A_149 = arith.muli %add3A_117, %mul3A_148 : i32
      %add3A_150 = arith.constant 2 : i32
      %add3A_151 = arith.addi %mul3A_149, %add3A_150 : i32
      %dma_wait3A_152 = arith.constant 1 : i32
      %dma_wait3A_153 = arith.constant 0 : i32
      %dma_wait3A_154 = arith.constant 0 : i32
      %dma_wait3A_155 = tpu.memref_slice %arg8[%dma_wait3A_152, %dma_wait3A_153, %dma_wait3A_154] : memref<4x200x32xf32, #tpu.memory_space<vmem>> -> memref<1x100x32xf32, #tpu.memory_space<vmem>>
      %dma_wait3A_156 = tpu.memref_squeeze %dma_wait3A_155 : memref<1x100x32xf32, #tpu.memory_space<vmem>> -> memref<100x32xf32, #tpu.memory_space<vmem>>
      %dma_wait3A_157 = arith.constant 0 : i32
      %dma_wait3A_158 = tpu.memref_slice %arg6[%add3A_151, %dma_wait3A_157] : memref<256x100xi32, #tpu.memory_space<vmem>> -> memref<1x100xi32, #tpu.memory_space<vmem>>
      %dma_wait3A_159 = tpu.memref_squeeze %dma_wait3A_158 : memref<1x100xi32, #tpu.memory_space<vmem>> -> memref<100xi32, #tpu.memory_space<vmem>>
      %dma_wait3A_160 = arith.constant 0 : i32
      %dma_wait3A_161 = arith.constant 0 : i32
      %dma_wait3A_162 = tpu.memref_slice %arg3[%dma_wait3A_160, %dma_wait3A_161] : memref<1000000x32xf32, #tpu.memory_space<hbm>> -> memref<1000000x32xf32, #tpu.memory_space<hbm>>
      tpu.wait_indirect_dma semaphore(%arg10 : memref<!tpu.dma_semaphore, #tpu.memory_space<semaphore_mem>>) src(%dma_wait3A_162 : memref<1000000x32xf32, #tpu.memory_space<hbm>>) dst(%dma_wait3A_156 : memref<100x32xf32, #tpu.memory_space<vmem>>)
      %mul3A_163 = arith.constant 8 : i32
      %mul3A_164 = arith.muli %add3A_117, %mul3A_163 : i32
      %add3A_165 = arith.constant 3 : i32
      %add3A_166 = arith.addi %mul3A_164, %add3A_165 : i32
      %dma_wait3A_167 = arith.constant 1 : i32
      %dma_wait3A_168 = arith.constant 100 : i32
      %dma_wait3A_169 = arith.constant 0 : i32
      %dma_wait3A_170 = tpu.memref_slice %arg8[%dma_wait3A_167, %dma_wait3A_168, %dma_wait3A_169] : memref<4x200x32xf32, #tpu.memory_space<vmem>> -> memref<1x100x32xf32, #tpu.memory_space<vmem>>
      %dma_wait3A_171 = tpu.memref_squeeze %dma_wait3A_170 : memref<1x100x32xf32, #tpu.memory_space<vmem>> -> memref<100x32xf32, #tpu.memory_space<vmem>>
      %dma_wait3A_172 = arith.constant 0 : i32
      %dma_wait3A_173 = tpu.memref_slice %arg6[%add3A_166, %dma_wait3A_172] : memref<256x100xi32, #tpu.memory_space<vmem>> -> memref<1x100xi32, #tpu.memory_space<vmem>>
      %dma_wait3A_174 = tpu.memref_squeeze %dma_wait3A_173 : memref<1x100xi32, #tpu.memory_space<vmem>> -> memref<100xi32, #tpu.memory_space<vmem>>
      %dma_wait3A_175 = arith.constant 0 : i32
      %dma_wait3A_176 = arith.constant 0 : i32
      %dma_wait3A_177 = tpu.memref_slice %arg3[%dma_wait3A_175, %dma_wait3A_176] : memref<1000000x32xf32, #tpu.memory_space<hbm>> -> memref<1000000x32xf32, #tpu.memory_space<hbm>>
      tpu.wait_indirect_dma semaphore(%arg10 : memref<!tpu.dma_semaphore, #tpu.memory_space<semaphore_mem>>) src(%dma_wait3A_177 : memref<1000000x32xf32, #tpu.memory_space<hbm>>) dst(%dma_wait3A_171 : memref<100x32xf32, #tpu.memory_space<vmem>>)
      %mul3A_178 = arith.constant 8 : i32
      %mul3A_179 = arith.muli %add3A_117, %mul3A_178 : i32
      %add3A_180 = arith.constant 4 : i32
      %add3A_181 = arith.addi %mul3A_179, %add3A_180 : i32
      %dma_wait3A_182 = arith.constant 2 : i32
      %dma_wait3A_183 = arith.constant 0 : i32
      %dma_wait3A_184 = arith.constant 0 : i32
      %dma_wait3A_185 = tpu.memref_slice %arg8[%dma_wait3A_182, %dma_wait3A_183, %dma_wait3A_184] : memref<4x200x32xf32, #tpu.memory_space<vmem>> -> memref<1x100x32xf32, #tpu.memory_space<vmem>>
      %dma_wait3A_186 = tpu.memref_squeeze %dma_wait3A_185 : memref<1x100x32xf32, #tpu.memory_space<vmem>> -> memref<100x32xf32, #tpu.memory_space<vmem>>
      %dma_wait3A_187 = arith.constant 0 : i32
      %dma_wait3A_188 = tpu.memref_slice %arg6[%add3A_181, %dma_wait3A_187] : memref<256x100xi32, #tpu.memory_space<vmem>> -> memref<1x100xi32, #tpu.memory_space<vmem>>
      %dma_wait3A_189 = tpu.memref_squeeze %dma_wait3A_188 : memref<1x100xi32, #tpu.memory_space<vmem>> -> memref<100xi32, #tpu.memory_space<vmem>>
      %dma_wait3A_190 = arith.constant 0 : i32
      %dma_wait3A_191 = arith.constant 0 : i32
      %dma_wait3A_192 = tpu.memref_slice %arg3[%dma_wait3A_190, %dma_wait3A_191] : memref<1000000x32xf32, #tpu.memory_space<hbm>> -> memref<1000000x32xf32, #tpu.memory_space<hbm>>
      tpu.wait_indirect_dma semaphore(%arg10 : memref<!tpu.dma_semaphore, #tpu.memory_space<semaphore_mem>>) src(%dma_wait3A_192 : memref<1000000x32xf32, #tpu.memory_space<hbm>>) dst(%dma_wait3A_186 : memref<100x32xf32, #tpu.memory_space<vmem>>)
      %mul3A_193 = arith.constant 8 : i32
      %mul3A_194 = arith.muli %add3A_117, %mul3A_193 : i32
      %add3A_195 = arith.constant 5 : i32
      %add3A_196 = arith.addi %mul3A_194, %add3A_195 : i32
      %dma_wait3A_197 = arith.constant 2 : i32
      %dma_wait3A_198 = arith.constant 100 : i32
      %dma_wait3A_199 = arith.constant 0 : i32
      %dma_wait3A_200 = tpu.memref_slice %arg8[%dma_wait3A_197, %dma_wait3A_198, %dma_wait3A_199] : memref<4x200x32xf32, #tpu.memory_space<vmem>> -> memref<1x100x32xf32, #tpu.memory_space<vmem>>
      %dma_wait3A_201 = tpu.memref_squeeze %dma_wait3A_200 : memref<1x100x32xf32, #tpu.memory_space<vmem>> -> memref<100x32xf32, #tpu.memory_space<vmem>>
      %dma_wait3A_202 = arith.constant 0 : i32
      %dma_wait3A_203 = tpu.memref_slice %arg6[%add3A_196, %dma_wait3A_202] : memref<256x100xi32, #tpu.memory_space<vmem>> -> memref<1x100xi32, #tpu.memory_space<vmem>>
      %dma_wait3A_204 = tpu.memref_squeeze %dma_wait3A_203 : memref<1x100xi32, #tpu.memory_space<vmem>> -> memref<100xi32, #tpu.memory_space<vmem>>
      %dma_wait3A_205 = arith.constant 0 : i32
      %dma_wait3A_206 = arith.constant 0 : i32
      %dma_wait3A_207 = tpu.memref_slice %arg3[%dma_wait3A_205, %dma_wait3A_206] : memref<1000000x32xf32, #tpu.memory_space<hbm>> -> memref<1000000x32xf32, #tpu.memory_space<hbm>>
      tpu.wait_indirect_dma semaphore(%arg10 : memref<!tpu.dma_semaphore, #tpu.memory_space<semaphore_mem>>) src(%dma_wait3A_207 : memref<1000000x32xf32, #tpu.memory_space<hbm>>) dst(%dma_wait3A_201 : memref<100x32xf32, #tpu.memory_space<vmem>>)
      %mul3A_208 = arith.constant 8 : i32
      %mul3A_209 = arith.muli %add3A_117, %mul3A_208 : i32
      %add3A_210 = arith.constant 6 : i32
      %add3A_211 = arith.addi %mul3A_209, %add3A_210 : i32
      %dma_wait3A_212 = arith.constant 3 : i32
      %dma_wait3A_213 = arith.constant 0 : i32
      %dma_wait3A_214 = arith.constant 0 : i32
      %dma_wait3A_215 = tpu.memref_slice %arg8[%dma_wait3A_212, %dma_wait3A_213, %dma_wait3A_214] : memref<4x200x32xf32, #tpu.memory_space<vmem>> -> memref<1x100x32xf32, #tpu.memory_space<vmem>>
      %dma_wait3A_216 = tpu.memref_squeeze %dma_wait3A_215 : memref<1x100x32xf32, #tpu.memory_space<vmem>> -> memref<100x32xf32, #tpu.memory_space<vmem>>
      %dma_wait3A_217 = arith.constant 0 : i32
      %dma_wait3A_218 = tpu.memref_slice %arg6[%add3A_211, %dma_wait3A_217] : memref<256x100xi32, #tpu.memory_space<vmem>> -> memref<1x100xi32, #tpu.memory_space<vmem>>
      %dma_wait3A_219 = tpu.memref_squeeze %dma_wait3A_218 : memref<1x100xi32, #tpu.memory_space<vmem>> -> memref<100xi32, #tpu.memory_space<vmem>>
      %dma_wait3A_220 = arith.constant 0 : i32
      %dma_wait3A_221 = arith.constant 0 : i32
      %dma_wait3A_222 = tpu.memref_slice %arg3[%dma_wait3A_220, %dma_wait3A_221] : memref<1000000x32xf32, #tpu.memory_space<hbm>> -> memref<1000000x32xf32, #tpu.memory_space<hbm>>
      tpu.wait_indirect_dma semaphore(%arg10 : memref<!tpu.dma_semaphore, #tpu.memory_space<semaphore_mem>>) src(%dma_wait3A_222 : memref<1000000x32xf32, #tpu.memory_space<hbm>>) dst(%dma_wait3A_216 : memref<100x32xf32, #tpu.memory_space<vmem>>)
      %mul3A_223 = arith.constant 8 : i32
      %mul3A_224 = arith.muli %add3A_117, %mul3A_223 : i32
      %add3A_225 = arith.constant 7 : i32
      %add3A_226 = arith.addi %mul3A_224, %add3A_225 : i32
      %dma_wait3A_227 = arith.constant 3 : i32
      %dma_wait3A_228 = arith.constant 100 : i32
      %dma_wait3A_229 = arith.constant 0 : i32
      %dma_wait3A_230 = tpu.memref_slice %arg8[%dma_wait3A_227, %dma_wait3A_228, %dma_wait3A_229] : memref<4x200x32xf32, #tpu.memory_space<vmem>> -> memref<1x100x32xf32, #tpu.memory_space<vmem>>
      %dma_wait3A_231 = tpu.memref_squeeze %dma_wait3A_230 : memref<1x100x32xf32, #tpu.memory_space<vmem>> -> memref<100x32xf32, #tpu.memory_space<vmem>>
      %dma_wait3A_232 = arith.constant 0 : i32
      %dma_wait3A_233 = tpu.memref_slice %arg6[%add3A_226, %dma_wait3A_232] : memref<256x100xi32, #tpu.memory_space<vmem>> -> memref<1x100xi32, #tpu.memory_space<vmem>>
      %dma_wait3A_234 = tpu.memref_squeeze %dma_wait3A_233 : memref<1x100xi32, #tpu.memory_space<vmem>> -> memref<100xi32, #tpu.memory_space<vmem>>
      %dma_wait3A_235 = arith.constant 0 : i32
      %dma_wait3A_236 = arith.constant 0 : i32
      %dma_wait3A_237 = tpu.memref_slice %arg3[%dma_wait3A_235, %dma_wait3A_236] : memref<1000000x32xf32, #tpu.memory_space<hbm>> -> memref<1000000x32xf32, #tpu.memory_space<hbm>>
      tpu.wait_indirect_dma semaphore(%arg10 : memref<!tpu.dma_semaphore, #tpu.memory_space<semaphore_mem>>) src(%dma_wait3A_237 : memref<1000000x32xf32, #tpu.memory_space<hbm>>) dst(%dma_wait3A_231 : memref<100x32xf32, #tpu.memory_space<vmem>>)
      %gt3A = arith.constant 0 : i32
      %gt3A_238 = arith.cmpi sgt, %add3A_117, %gt3A : i32
      %convert_element_type3A = arith.extui %gt3A_238 : i1 to i32
      %cond3A = arith.constant 0 : i32
      %cond3A_239 = arith.cmpi ne, %convert_element_type3A, %cond3A : i32
      scf.if %cond3A_239 {
        %sub3A = arith.constant 1 : i32
        %sub3A_404 = arith.subi %add3A_117, %sub3A : i32
        %mul3A_405 = arith.constant 4 : i32
        %mul3A_406 = arith.muli %sub3A_404, %mul3A_405 : i32
        %add3A_407 = arith.addi %mul3A_4, %mul3A_406 : i32
        %dma_wait3A_408 = arith.constant 0 : i32
        %dma_wait3A_409 = arith.constant 0 : i32
        %dma_wait3A_410 = tpu.memref_slice %arg5[%add3A_407, %dma_wait3A_408, %dma_wait3A_409] : memref<4096x200x128xf32, #tpu.memory_space<hbm>> -> memref<4x200x32xf32, #tpu.memory_space<hbm>>
        %dma_wait3A_411 = arith.constant 0 : i32
        %dma_wait3A_412 = arith.constant 0 : i32
        %dma_wait3A_413 = tpu.memref_slice %arg5[%add3A_407, %dma_wait3A_411, %dma_wait3A_412] : memref<4096x200x128xf32, #tpu.memory_space<hbm>> -> memref<4x200x32xf32, #tpu.memory_space<hbm>>
        tpu.wait_dma2 semaphore(%arg11 : memref<!tpu.dma_semaphore, #tpu.memory_space<semaphore_mem>>) src(%arg9 : memref<4x200x32xf32, #tpu.memory_space<vmem>>) dst(%dma_wait3A_413 : memref<4x200x32xf32, #tpu.memory_space<hbm>>)
      } else {
      }
      %lt3A = arith.constant 31 : i32
      %lt3A_240 = arith.cmpi slt, %add3A_117, %lt3A : i32
      %convert_element_type3A_241 = arith.extui %lt3A_240 : i1 to i32
      %cond3A_242 = arith.constant 0 : i32
      %cond3A_243 = arith.cmpi ne, %convert_element_type3A_241, %cond3A_242 : i32
      scf.if %cond3A_243 {
        %add3A_404 = arith.constant 1 : i32
        %add3A_405 = arith.addi %add3A_117, %add3A_404 : i32
        %mul3A_406 = arith.constant 8 : i32
        %mul3A_407 = arith.muli %add3A_405, %mul3A_406 : i32
        %add3A_408 = arith.constant 0 : i32
        %add3A_409 = arith.addi %mul3A_407, %add3A_408 : i32
        %dma_start3A_410 = arith.constant 0 : i32
        %dma_start3A_411 = arith.constant 0 : i32
        %dma_start3A_412 = arith.constant 0 : i32
        %dma_start3A_413 = tpu.memref_slice %arg9[%dma_start3A_410, %dma_start3A_411, %dma_start3A_412] : memref<4x200x32xf32, #tpu.memory_space<vmem>> -> memref<1x100x32xf32, #tpu.memory_space<vmem>>
        %dma_start3A_414 = tpu.memref_squeeze %dma_start3A_413 : memref<1x100x32xf32, #tpu.memory_space<vmem>> -> memref<100x32xf32, #tpu.memory_space<vmem>>
        %dma_start3A_415 = arith.constant 0 : i32
        %dma_start3A_416 = tpu.memref_slice %arg6[%add3A_409, %dma_start3A_415] : memref<256x100xi32, #tpu.memory_space<vmem>> -> memref<1x100xi32, #tpu.memory_space<vmem>>
        %dma_start3A_417 = tpu.memref_squeeze %dma_start3A_416 : memref<1x100xi32, #tpu.memory_space<vmem>> -> memref<100xi32, #tpu.memory_space<vmem>>
        %dma_start3A_418 = arith.constant 0 : i32
        %dma_start3A_419 = arith.constant 0 : i32
        %dma_start3A_420 = tpu.memref_slice %arg3[%dma_start3A_418, %dma_start3A_419] : memref<1000000x32xf32, #tpu.memory_space<hbm>> -> memref<1000000x32xf32, #tpu.memory_space<hbm>>
        tpu.enqueue_indirect_dma source(%dma_start3A_420 : memref<1000000x32xf32, #tpu.memory_space<hbm>>) target(%dma_start3A_414 : memref<100x32xf32, #tpu.memory_space<vmem>>) offsets(%dma_start3A_417 : memref<100xi32, #tpu.memory_space<vmem>>) semaphore(%arg10 : memref<!tpu.dma_semaphore, #tpu.memory_space<semaphore_mem>>)
        %mul3A_421 = arith.constant 8 : i32
        %mul3A_422 = arith.muli %add3A_405, %mul3A_421 : i32
        %add3A_423 = arith.constant 1 : i32
        %add3A_424 = arith.addi %mul3A_422, %add3A_423 : i32
        %dma_start3A_425 = arith.constant 0 : i32
        %dma_start3A_426 = arith.constant 100 : i32
        %dma_start3A_427 = arith.constant 0 : i32
        %dma_start3A_428 = tpu.memref_slice %arg9[%dma_start3A_425, %dma_start3A_426, %dma_start3A_427] : memref<4x200x32xf32, #tpu.memory_space<vmem>> -> memref<1x100x32xf32, #tpu.memory_space<vmem>>
        %dma_start3A_429 = tpu.memref_squeeze %dma_start3A_428 : memref<1x100x32xf32, #tpu.memory_space<vmem>> -> memref<100x32xf32, #tpu.memory_space<vmem>>
        %dma_start3A_430 = arith.constant 0 : i32
        %dma_start3A_431 = tpu.memref_slice %arg6[%add3A_424, %dma_start3A_430] : memref<256x100xi32, #tpu.memory_space<vmem>> -> memref<1x100xi32, #tpu.memory_space<vmem>>
        %dma_start3A_432 = tpu.memref_squeeze %dma_start3A_431 : memref<1x100xi32, #tpu.memory_space<vmem>> -> memref<100xi32, #tpu.memory_space<vmem>>
        %dma_start3A_433 = arith.constant 0 : i32
        %dma_start3A_434 = arith.constant 0 : i32
        %dma_start3A_435 = tpu.memref_slice %arg3[%dma_start3A_433, %dma_start3A_434] : memref<1000000x32xf32, #tpu.memory_space<hbm>> -> memref<1000000x32xf32, #tpu.memory_space<hbm>>
        tpu.enqueue_indirect_dma source(%dma_start3A_435 : memref<1000000x32xf32, #tpu.memory_space<hbm>>) target(%dma_start3A_429 : memref<100x32xf32, #tpu.memory_space<vmem>>) offsets(%dma_start3A_432 : memref<100xi32, #tpu.memory_space<vmem>>) semaphore(%arg10 : memref<!tpu.dma_semaphore, #tpu.memory_space<semaphore_mem>>)
        %mul3A_436 = arith.constant 8 : i32
        %mul3A_437 = arith.muli %add3A_405, %mul3A_436 : i32
        %add3A_438 = arith.constant 2 : i32
        %add3A_439 = arith.addi %mul3A_437, %add3A_438 : i32
        %dma_start3A_440 = arith.constant 1 : i32
        %dma_start3A_441 = arith.constant 0 : i32
        %dma_start3A_442 = arith.constant 0 : i32
        %dma_start3A_443 = tpu.memref_slice %arg9[%dma_start3A_440, %dma_start3A_441, %dma_start3A_442] : memref<4x200x32xf32, #tpu.memory_space<vmem>> -> memref<1x100x32xf32, #tpu.memory_space<vmem>>
        %dma_start3A_444 = tpu.memref_squeeze %dma_start3A_443 : memref<1x100x32xf32, #tpu.memory_space<vmem>> -> memref<100x32xf32, #tpu.memory_space<vmem>>
        %dma_start3A_445 = arith.constant 0 : i32
        %dma_start3A_446 = tpu.memref_slice %arg6[%add3A_439, %dma_start3A_445] : memref<256x100xi32, #tpu.memory_space<vmem>> -> memref<1x100xi32, #tpu.memory_space<vmem>>
        %dma_start3A_447 = tpu.memref_squeeze %dma_start3A_446 : memref<1x100xi32, #tpu.memory_space<vmem>> -> memref<100xi32, #tpu.memory_space<vmem>>
        %dma_start3A_448 = arith.constant 0 : i32
        %dma_start3A_449 = arith.constant 0 : i32
        %dma_start3A_450 = tpu.memref_slice %arg3[%dma_start3A_448, %dma_start3A_449] : memref<1000000x32xf32, #tpu.memory_space<hbm>> -> memref<1000000x32xf32, #tpu.memory_space<hbm>>
        tpu.enqueue_indirect_dma source(%dma_start3A_450 : memref<1000000x32xf32, #tpu.memory_space<hbm>>) target(%dma_start3A_444 : memref<100x32xf32, #tpu.memory_space<vmem>>) offsets(%dma_start3A_447 : memref<100xi32, #tpu.memory_space<vmem>>) semaphore(%arg10 : memref<!tpu.dma_semaphore, #tpu.memory_space<semaphore_mem>>)
        %mul3A_451 = arith.constant 8 : i32
        %mul3A_452 = arith.muli %add3A_405, %mul3A_451 : i32
        %add3A_453 = arith.constant 3 : i32
        %add3A_454 = arith.addi %mul3A_452, %add3A_453 : i32
        %dma_start3A_455 = arith.constant 1 : i32
        %dma_start3A_456 = arith.constant 100 : i32
        %dma_start3A_457 = arith.constant 0 : i32
        %dma_start3A_458 = tpu.memref_slice %arg9[%dma_start3A_455, %dma_start3A_456, %dma_start3A_457] : memref<4x200x32xf32, #tpu.memory_space<vmem>> -> memref<1x100x32xf32, #tpu.memory_space<vmem>>
        %dma_start3A_459 = tpu.memref_squeeze %dma_start3A_458 : memref<1x100x32xf32, #tpu.memory_space<vmem>> -> memref<100x32xf32, #tpu.memory_space<vmem>>
        %dma_start3A_460 = arith.constant 0 : i32
        %dma_start3A_461 = tpu.memref_slice %arg6[%add3A_454, %dma_start3A_460] : memref<256x100xi32, #tpu.memory_space<vmem>> -> memref<1x100xi32, #tpu.memory_space<vmem>>
        %dma_start3A_462 = tpu.memref_squeeze %dma_start3A_461 : memref<1x100xi32, #tpu.memory_space<vmem>> -> memref<100xi32, #tpu.memory_space<vmem>>
        %dma_start3A_463 = arith.constant 0 : i32
        %dma_start3A_464 = arith.constant 0 : i32
        %dma_start3A_465 = tpu.memref_slice %arg3[%dma_start3A_463, %dma_start3A_464] : memref<1000000x32xf32, #tpu.memory_space<hbm>> -> memref<1000000x32xf32, #tpu.memory_space<hbm>>
        tpu.enqueue_indirect_dma source(%dma_start3A_465 : memref<1000000x32xf32, #tpu.memory_space<hbm>>) target(%dma_start3A_459 : memref<100x32xf32, #tpu.memory_space<vmem>>) offsets(%dma_start3A_462 : memref<100xi32, #tpu.memory_space<vmem>>) semaphore(%arg10 : memref<!tpu.dma_semaphore, #tpu.memory_space<semaphore_mem>>)
        %mul3A_466 = arith.constant 8 : i32
        %mul3A_467 = arith.muli %add3A_405, %mul3A_466 : i32
        %add3A_468 = arith.constant 4 : i32
        %add3A_469 = arith.addi %mul3A_467, %add3A_468 : i32
        %dma_start3A_470 = arith.constant 2 : i32
        %dma_start3A_471 = arith.constant 0 : i32
        %dma_start3A_472 = arith.constant 0 : i32
        %dma_start3A_473 = tpu.memref_slice %arg9[%dma_start3A_470, %dma_start3A_471, %dma_start3A_472] : memref<4x200x32xf32, #tpu.memory_space<vmem>> -> memref<1x100x32xf32, #tpu.memory_space<vmem>>
        %dma_start3A_474 = tpu.memref_squeeze %dma_start3A_473 : memref<1x100x32xf32, #tpu.memory_space<vmem>> -> memref<100x32xf32, #tpu.memory_space<vmem>>
        %dma_start3A_475 = arith.constant 0 : i32
        %dma_start3A_476 = tpu.memref_slice %arg6[%add3A_469, %dma_start3A_475] : memref<256x100xi32, #tpu.memory_space<vmem>> -> memref<1x100xi32, #tpu.memory_space<vmem>>
        %dma_start3A_477 = tpu.memref_squeeze %dma_start3A_476 : memref<1x100xi32, #tpu.memory_space<vmem>> -> memref<100xi32, #tpu.memory_space<vmem>>
        %dma_start3A_478 = arith.constant 0 : i32
        %dma_start3A_479 = arith.constant 0 : i32
        %dma_start3A_480 = tpu.memref_slice %arg3[%dma_start3A_478, %dma_start3A_479] : memref<1000000x32xf32, #tpu.memory_space<hbm>> -> memref<1000000x32xf32, #tpu.memory_space<hbm>>
        tpu.enqueue_indirect_dma source(%dma_start3A_480 : memref<1000000x32xf32, #tpu.memory_space<hbm>>) target(%dma_start3A_474 : memref<100x32xf32, #tpu.memory_space<vmem>>) offsets(%dma_start3A_477 : memref<100xi32, #tpu.memory_space<vmem>>) semaphore(%arg10 : memref<!tpu.dma_semaphore, #tpu.memory_space<semaphore_mem>>)
        %mul3A_481 = arith.constant 8 : i32
        %mul3A_482 = arith.muli %add3A_405, %mul3A_481 : i32
        %add3A_483 = arith.constant 5 : i32
        %add3A_484 = arith.addi %mul3A_482, %add3A_483 : i32
        %dma_start3A_485 = arith.constant 2 : i32
        %dma_start3A_486 = arith.constant 100 : i32
        %dma_start3A_487 = arith.constant 0 : i32
        %dma_start3A_488 = tpu.memref_slice %arg9[%dma_start3A_485, %dma_start3A_486, %dma_start3A_487] : memref<4x200x32xf32, #tpu.memory_space<vmem>> -> memref<1x100x32xf32, #tpu.memory_space<vmem>>
        %dma_start3A_489 = tpu.memref_squeeze %dma_start3A_488 : memref<1x100x32xf32, #tpu.memory_space<vmem>> -> memref<100x32xf32, #tpu.memory_space<vmem>>
        %dma_start3A_490 = arith.constant 0 : i32
        %dma_start3A_491 = tpu.memref_slice %arg6[%add3A_484, %dma_start3A_490] : memref<256x100xi32, #tpu.memory_space<vmem>> -> memref<1x100xi32, #tpu.memory_space<vmem>>
        %dma_start3A_492 = tpu.memref_squeeze %dma_start3A_491 : memref<1x100xi32, #tpu.memory_space<vmem>> -> memref<100xi32, #tpu.memory_space<vmem>>
        %dma_start3A_493 = arith.constant 0 : i32
        %dma_start3A_494 = arith.constant 0 : i32
        %dma_start3A_495 = tpu.memref_slice %arg3[%dma_start3A_493, %dma_start3A_494] : memref<1000000x32xf32, #tpu.memory_space<hbm>> -> memref<1000000x32xf32, #tpu.memory_space<hbm>>
        tpu.enqueue_indirect_dma source(%dma_start3A_495 : memref<1000000x32xf32, #tpu.memory_space<hbm>>) target(%dma_start3A_489 : memref<100x32xf32, #tpu.memory_space<vmem>>) offsets(%dma_start3A_492 : memref<100xi32, #tpu.memory_space<vmem>>) semaphore(%arg10 : memref<!tpu.dma_semaphore, #tpu.memory_space<semaphore_mem>>)
        %mul3A_496 = arith.constant 8 : i32
        %mul3A_497 = arith.muli %add3A_405, %mul3A_496 : i32
        %add3A_498 = arith.constant 6 : i32
        %add3A_499 = arith.addi %mul3A_497, %add3A_498 : i32
        %dma_start3A_500 = arith.constant 3 : i32
        %dma_start3A_501 = arith.constant 0 : i32
        %dma_start3A_502 = arith.constant 0 : i32
        %dma_start3A_503 = tpu.memref_slice %arg9[%dma_start3A_500, %dma_start3A_501, %dma_start3A_502] : memref<4x200x32xf32, #tpu.memory_space<vmem>> -> memref<1x100x32xf32, #tpu.memory_space<vmem>>
        %dma_start3A_504 = tpu.memref_squeeze %dma_start3A_503 : memref<1x100x32xf32, #tpu.memory_space<vmem>> -> memref<100x32xf32, #tpu.memory_space<vmem>>
        %dma_start3A_505 = arith.constant 0 : i32
        %dma_start3A_506 = tpu.memref_slice %arg6[%add3A_499, %dma_start3A_505] : memref<256x100xi32, #tpu.memory_space<vmem>> -> memref<1x100xi32, #tpu.memory_space<vmem>>
        %dma_start3A_507 = tpu.memref_squeeze %dma_start3A_506 : memref<1x100xi32, #tpu.memory_space<vmem>> -> memref<100xi32, #tpu.memory_space<vmem>>
        %dma_start3A_508 = arith.constant 0 : i32
        %dma_start3A_509 = arith.constant 0 : i32
        %dma_start3A_510 = tpu.memref_slice %arg3[%dma_start3A_508, %dma_start3A_509] : memref<1000000x32xf32, #tpu.memory_space<hbm>> -> memref<1000000x32xf32, #tpu.memory_space<hbm>>
        tpu.enqueue_indirect_dma source(%dma_start3A_510 : memref<1000000x32xf32, #tpu.memory_space<hbm>>) target(%dma_start3A_504 : memref<100x32xf32, #tpu.memory_space<vmem>>) offsets(%dma_start3A_507 : memref<100xi32, #tpu.memory_space<vmem>>) semaphore(%arg10 : memref<!tpu.dma_semaphore, #tpu.memory_space<semaphore_mem>>)
        %mul3A_511 = arith.constant 8 : i32
        %mul3A_512 = arith.muli %add3A_405, %mul3A_511 : i32
        %add3A_513 = arith.constant 7 : i32
        %add3A_514 = arith.addi %mul3A_512, %add3A_513 : i32
        %dma_start3A_515 = arith.constant 3 : i32
        %dma_start3A_516 = arith.constant 100 : i32
        %dma_start3A_517 = arith.constant 0 : i32
        %dma_start3A_518 = tpu.memref_slice %arg9[%dma_start3A_515, %dma_start3A_516, %dma_start3A_517] : memref<4x200x32xf32, #tpu.memory_space<vmem>> -> memref<1x100x32xf32, #tpu.memory_space<vmem>>
        %dma_start3A_519 = tpu.memref_squeeze %dma_start3A_518 : memref<1x100x32xf32, #tpu.memory_space<vmem>> -> memref<100x32xf32, #tpu.memory_space<vmem>>
        %dma_start3A_520 = arith.constant 0 : i32
        %dma_start3A_521 = tpu.memref_slice %arg6[%add3A_514, %dma_start3A_520] : memref<256x100xi32, #tpu.memory_space<vmem>> -> memref<1x100xi32, #tpu.memory_space<vmem>>
        %dma_start3A_522 = tpu.memref_squeeze %dma_start3A_521 : memref<1x100xi32, #tpu.memory_space<vmem>> -> memref<100xi32, #tpu.memory_space<vmem>>
        %dma_start3A_523 = arith.constant 0 : i32
        %dma_start3A_524 = arith.constant 0 : i32
        %dma_start3A_525 = tpu.memref_slice %arg3[%dma_start3A_523, %dma_start3A_524] : memref<1000000x32xf32, #tpu.memory_space<hbm>> -> memref<1000000x32xf32, #tpu.memory_space<hbm>>
        tpu.enqueue_indirect_dma source(%dma_start3A_525 : memref<1000000x32xf32, #tpu.memory_space<hbm>>) target(%dma_start3A_519 : memref<100x32xf32, #tpu.memory_space<vmem>>) offsets(%dma_start3A_522 : memref<100xi32, #tpu.memory_space<vmem>>) semaphore(%arg10 : memref<!tpu.dma_semaphore, #tpu.memory_space<semaphore_mem>>)
      } else {
      }
      %scan3A_244 = arith.constant 0 : i32
      %scan3A_245 = arith.constant 200 : i32
      %scan3A_246 = arith.addi %scan3A_244, %scan3A_245 : i32
      %scan3A_247 = arith.constant 1 : i32
      scf.for %scan3A_404 = %scan3A_244 to %scan3A_246 step %scan3A_247  : i32 {
        %mul3A_405 = arith.constant 1 : i32
        %mul3A_406 = arith.muli %scan3A_404, %mul3A_405 : i32
        %add3A_407 = arith.constant 0 : i32
        %add3A_408 = arith.addi %add3A_407, %mul3A_406 : i32
        %get3A = arith.index_cast %add3A_408 : i32 to index
        %get3A_409 = arith.constant 0 : index
        %get3A_410 = tpu.vector_load %arg7[%get3A, %get3A_409] {strides = array<i32>} : memref<200x32xf32, #tpu.memory_space<vmem>>, vector<1x16xf32>,
        %get3A_411 = vector.shape_cast %get3A_410 : vector<1x16xf32> to vector<16xf32>
        %get3A_412 = arith.constant 0 : i32
        %get3A_413 = arith.index_cast %get3A_412 : i32 to index
        %get3A_414 = arith.index_cast %add3A_408 : i32 to index
        %get3A_415 = arith.constant 0 : index
        %get3A_416 = tpu.vector_load %arg8[%get3A_413, %get3A_414, %get3A_415] {strides = array<i32>} : memref<4x200x32xf32, #tpu.memory_space<vmem>>, vector<1x1x16xf32>,
        %get3A_417 = vector.shape_cast %get3A_416 : vector<1x1x16xf32> to vector<16xf32>
        %add3A_418 = arith.addf %get3A_417, %get3A_411 : vector<16xf32>
        %swap3A = arith.constant 0 : i32
        %swap3A_419 = arith.index_cast %swap3A : i32 to index
        %swap3A_420 = arith.index_cast %add3A_408 : i32 to index
        %swap3A_421 = arith.constant 0 : index
        %swap3A_422 = tpu.vector_load %arg8[%swap3A_419, %swap3A_420, %swap3A_421] {strides = array<i32>} : memref<4x200x32xf32, #tpu.memory_space<vmem>>, vector<1x1x16xf32>,
        %swap3A_423 = vector.shape_cast %swap3A_422 : vector<1x1x16xf32> to vector<16xf32>
        %swap3A_424 = vector.shape_cast %add3A_418 : vector<16xf32> to vector<1x1x16xf32>
        tpu.vector_store %arg8[%swap3A_419, %swap3A_420, %swap3A_421], %swap3A_424 {strides = array<i32>} : memref<4x200x32xf32, #tpu.memory_space<vmem>>, vector<1x1x16xf32>,
        %get3A_425 = arith.constant 1 : i32
        %get3A_426 = arith.index_cast %get3A_425 : i32 to index
        %get3A_427 = arith.index_cast %add3A_408 : i32 to index
        %get3A_428 = arith.constant 0 : index
        %get3A_429 = tpu.vector_load %arg8[%get3A_426, %get3A_427, %get3A_428] {strides = array<i32>} : memref<4x200x32xf32, #tpu.memory_space<vmem>>, vector<1x1x16xf32>,
        %get3A_430 = vector.shape_cast %get3A_429 : vector<1x1x16xf32> to vector<16xf32>
        %add3A_431 = arith.addf %get3A_430, %get3A_411 : vector<16xf32>
        %swap3A_432 = arith.constant 1 : i32
        %swap3A_433 = arith.index_cast %swap3A_432 : i32 to index
        %swap3A_434 = arith.index_cast %add3A_408 : i32 to index
        %swap3A_435 = arith.constant 0 : index
        %swap3A_436 = tpu.vector_load %arg8[%swap3A_433, %swap3A_434, %swap3A_435] {strides = array<i32>} : memref<4x200x32xf32, #tpu.memory_space<vmem>>, vector<1x1x16xf32>,
        %swap3A_437 = vector.shape_cast %swap3A_436 : vector<1x1x16xf32> to vector<16xf32>
        %swap3A_438 = vector.shape_cast %add3A_431 : vector<16xf32> to vector<1x1x16xf32>
        tpu.vector_store %arg8[%swap3A_433, %swap3A_434, %swap3A_435], %swap3A_438 {strides = array<i32>} : memref<4x200x32xf32, #tpu.memory_space<vmem>>, vector<1x1x16xf32>,
        %get3A_439 = arith.constant 2 : i32
        %get3A_440 = arith.index_cast %get3A_439 : i32 to index
        %get3A_441 = arith.index_cast %add3A_408 : i32 to index
        %get3A_442 = arith.constant 0 : index
        %get3A_443 = tpu.vector_load %arg8[%get3A_440, %get3A_441, %get3A_442] {strides = array<i32>} : memref<4x200x32xf32, #tpu.memory_space<vmem>>, vector<1x1x16xf32>,
        %get3A_444 = vector.shape_cast %get3A_443 : vector<1x1x16xf32> to vector<16xf32>
        %add3A_445 = arith.addf %get3A_444, %get3A_411 : vector<16xf32>
        %swap3A_446 = arith.constant 2 : i32
        %swap3A_447 = arith.index_cast %swap3A_446 : i32 to index
        %swap3A_448 = arith.index_cast %add3A_408 : i32 to index
        %swap3A_449 = arith.constant 0 : index
        %swap3A_450 = tpu.vector_load %arg8[%swap3A_447, %swap3A_448, %swap3A_449] {strides = array<i32>} : memref<4x200x32xf32, #tpu.memory_space<vmem>>, vector<1x1x16xf32>,
        %swap3A_451 = vector.shape_cast %swap3A_450 : vector<1x1x16xf32> to vector<16xf32>
        %swap3A_452 = vector.shape_cast %add3A_445 : vector<16xf32> to vector<1x1x16xf32>
        tpu.vector_store %arg8[%swap3A_447, %swap3A_448, %swap3A_449], %swap3A_452 {strides = array<i32>} : memref<4x200x32xf32, #tpu.memory_space<vmem>>, vector<1x1x16xf32>,
        %get3A_453 = arith.constant 3 : i32
        %get3A_454 = arith.index_cast %get3A_453 : i32 to index
        %get3A_455 = arith.index_cast %add3A_408 : i32 to index
        %get3A_456 = arith.constant 0 : index
        %get3A_457 = tpu.vector_load %arg8[%get3A_454, %get3A_455, %get3A_456] {strides = array<i32>} : memref<4x200x32xf32, #tpu.memory_space<vmem>>, vector<1x1x16xf32>,
        %get3A_458 = vector.shape_cast %get3A_457 : vector<1x1x16xf32> to vector<16xf32>
        %add3A_459 = arith.addf %get3A_458, %get3A_411 : vector<16xf32>
        %swap3A_460 = arith.constant 3 : i32
        %swap3A_461 = arith.index_cast %swap3A_460 : i32 to index
        %swap3A_462 = arith.index_cast %add3A_408 : i32 to index
        %swap3A_463 = arith.constant 0 : index
        %swap3A_464 = tpu.vector_load %arg8[%swap3A_461, %swap3A_462, %swap3A_463] {strides = array<i32>} : memref<4x200x32xf32, #tpu.memory_space<vmem>>, vector<1x1x16xf32>,
        %swap3A_465 = vector.shape_cast %swap3A_464 : vector<1x1x16xf32> to vector<16xf32>
        %swap3A_466 = vector.shape_cast %add3A_459 : vector<16xf32> to vector<1x1x16xf32>
        tpu.vector_store %arg8[%swap3A_461, %swap3A_462, %swap3A_463], %swap3A_466 {strides = array<i32>} : memref<4x200x32xf32, #tpu.memory_space<vmem>>, vector<1x1x16xf32>,
        %get3A_467 = arith.index_cast %add3A_408 : i32 to index
        %get3A_468 = arith.constant 16 : index
        %get3A_469 = tpu.vector_load %arg7[%get3A_467, %get3A_468] {strides = array<i32>} : memref<200x32xf32, #tpu.memory_space<vmem>>, vector<1x16xf32>,
        %get3A_470 = vector.shape_cast %get3A_469 : vector<1x16xf32> to vector<16xf32>
        %get3A_471 = arith.constant 0 : i32
        %get3A_472 = arith.index_cast %get3A_471 : i32 to index
        %get3A_473 = arith.index_cast %add3A_408 : i32 to index
        %get3A_474 = arith.constant 16 : index
        %get3A_475 = tpu.vector_load %arg8[%get3A_472, %get3A_473, %get3A_474] {strides = array<i32>} : memref<4x200x32xf32, #tpu.memory_space<vmem>>, vector<1x1x16xf32>,
        %get3A_476 = vector.shape_cast %get3A_475 : vector<1x1x16xf32> to vector<16xf32>
        %add3A_477 = arith.addf %get3A_476, %get3A_470 : vector<16xf32>
        %swap3A_478 = arith.constant 0 : i32
        %swap3A_479 = arith.index_cast %swap3A_478 : i32 to index
        %swap3A_480 = arith.index_cast %add3A_408 : i32 to index
        %swap3A_481 = arith.constant 16 : index
        %swap3A_482 = tpu.vector_load %arg8[%swap3A_479, %swap3A_480, %swap3A_481] {strides = array<i32>} : memref<4x200x32xf32, #tpu.memory_space<vmem>>, vector<1x1x16xf32>,
        %swap3A_483 = vector.shape_cast %swap3A_482 : vector<1x1x16xf32> to vector<16xf32>
        %swap3A_484 = vector.shape_cast %add3A_477 : vector<16xf32> to vector<1x1x16xf32>
        tpu.vector_store %arg8[%swap3A_479, %swap3A_480, %swap3A_481], %swap3A_484 {strides = array<i32>} : memref<4x200x32xf32, #tpu.memory_space<vmem>>, vector<1x1x16xf32>,
        %get3A_485 = arith.constant 1 : i32
        %get3A_486 = arith.index_cast %get3A_485 : i32 to index
        %get3A_487 = arith.index_cast %add3A_408 : i32 to index
        %get3A_488 = arith.constant 16 : index
        %get3A_489 = tpu.vector_load %arg8[%get3A_486, %get3A_487, %get3A_488] {strides = array<i32>} : memref<4x200x32xf32, #tpu.memory_space<vmem>>, vector<1x1x16xf32>,
        %get3A_490 = vector.shape_cast %get3A_489 : vector<1x1x16xf32> to vector<16xf32>
        %add3A_491 = arith.addf %get3A_490, %get3A_470 : vector<16xf32>
        %swap3A_492 = arith.constant 1 : i32
        %swap3A_493 = arith.index_cast %swap3A_492 : i32 to index
        %swap3A_494 = arith.index_cast %add3A_408 : i32 to index
        %swap3A_495 = arith.constant 16 : index
        %swap3A_496 = tpu.vector_load %arg8[%swap3A_493, %swap3A_494, %swap3A_495] {strides = array<i32>} : memref<4x200x32xf32, #tpu.memory_space<vmem>>, vector<1x1x16xf32>,
        %swap3A_497 = vector.shape_cast %swap3A_496 : vector<1x1x16xf32> to vector<16xf32>
        %swap3A_498 = vector.shape_cast %add3A_491 : vector<16xf32> to vector<1x1x16xf32>
        tpu.vector_store %arg8[%swap3A_493, %swap3A_494, %swap3A_495], %swap3A_498 {strides = array<i32>} : memref<4x200x32xf32, #tpu.memory_space<vmem>>, vector<1x1x16xf32>,
        %get3A_499 = arith.constant 2 : i32
        %get3A_500 = arith.index_cast %get3A_499 : i32 to index
        %get3A_501 = arith.index_cast %add3A_408 : i32 to index
        %get3A_502 = arith.constant 16 : index
        %get3A_503 = tpu.vector_load %arg8[%get3A_500, %get3A_501, %get3A_502] {strides = array<i32>} : memref<4x200x32xf32, #tpu.memory_space<vmem>>, vector<1x1x16xf32>,
        %get3A_504 = vector.shape_cast %get3A_503 : vector<1x1x16xf32> to vector<16xf32>
        %add3A_505 = arith.addf %get3A_504, %get3A_470 : vector<16xf32>
        %swap3A_506 = arith.constant 2 : i32
        %swap3A_507 = arith.index_cast %swap3A_506 : i32 to index
        %swap3A_508 = arith.index_cast %add3A_408 : i32 to index
        %swap3A_509 = arith.constant 16 : index
        %swap3A_510 = tpu.vector_load %arg8[%swap3A_507, %swap3A_508, %swap3A_509] {strides = array<i32>} : memref<4x200x32xf32, #tpu.memory_space<vmem>>, vector<1x1x16xf32>,
        %swap3A_511 = vector.shape_cast %swap3A_510 : vector<1x1x16xf32> to vector<16xf32>
        %swap3A_512 = vector.shape_cast %add3A_505 : vector<16xf32> to vector<1x1x16xf32>
        tpu.vector_store %arg8[%swap3A_507, %swap3A_508, %swap3A_509], %swap3A_512 {strides = array<i32>} : memref<4x200x32xf32, #tpu.memory_space<vmem>>, vector<1x1x16xf32>,
        %get3A_513 = arith.constant 3 : i32
        %get3A_514 = arith.index_cast %get3A_513 : i32 to index
        %get3A_515 = arith.index_cast %add3A_408 : i32 to index
        %get3A_516 = arith.constant 16 : index
        %get3A_517 = tpu.vector_load %arg8[%get3A_514, %get3A_515, %get3A_516] {strides = array<i32>} : memref<4x200x32xf32, #tpu.memory_space<vmem>>, vector<1x1x16xf32>,
        %get3A_518 = vector.shape_cast %get3A_517 : vector<1x1x16xf32> to vector<16xf32>
        %add3A_519 = arith.addf %get3A_518, %get3A_470 : vector<16xf32>
        %swap3A_520 = arith.constant 3 : i32
        %swap3A_521 = arith.index_cast %swap3A_520 : i32 to index
        %swap3A_522 = arith.index_cast %add3A_408 : i32 to index
        %swap3A_523 = arith.constant 16 : index
        %swap3A_524 = tpu.vector_load %arg8[%swap3A_521, %swap3A_522, %swap3A_523] {strides = array<i32>} : memref<4x200x32xf32, #tpu.memory_space<vmem>>, vector<1x1x16xf32>,
        %swap3A_525 = vector.shape_cast %swap3A_524 : vector<1x1x16xf32> to vector<16xf32>
        %swap3A_526 = vector.shape_cast %add3A_519 : vector<16xf32> to vector<1x1x16xf32>
        tpu.vector_store %arg8[%swap3A_521, %swap3A_522, %swap3A_523], %swap3A_526 {strides = array<i32>} : memref<4x200x32xf32, #tpu.memory_space<vmem>>, vector<1x1x16xf32>,
      }
      %scan3A_248 = arith.constant 200 : i32
      %mul3A_249 = arith.constant 4 : i32
      %mul3A_250 = arith.muli %add3A_117, %mul3A_249 : i32
      %add3A_251 = arith.addi %mul3A_4, %mul3A_250 : i32
      %dma_start3A_252 = arith.constant 0 : i32
      %dma_start3A_253 = arith.constant 0 : i32
      %dma_start3A_254 = tpu.memref_slice %arg5[%add3A_251, %dma_start3A_252, %dma_start3A_253] : memref<4096x200x128xf32, #tpu.memory_space<hbm>> -> memref<4x200x32xf32, #tpu.memory_space<hbm>>
      %dma_start3A_255 = arith.constant 0 : i32
      %dma_start3A_256 = arith.constant 0 : i32
      %dma_start3A_257 = tpu.memref_slice %arg5[%add3A_251, %dma_start3A_255, %dma_start3A_256] : memref<4096x200x128xf32, #tpu.memory_space<hbm>> -> memref<4x200x32xf32, #tpu.memory_space<hbm>>
      tpu.enqueue_dma source(%arg8 : memref<4x200x32xf32, #tpu.memory_space<vmem>>) target(%dma_start3A_257 : memref<4x200x32xf32, #tpu.memory_space<hbm>>) target_semaphore(%arg11 : memref<!tpu.dma_semaphore, #tpu.memory_space<semaphore_mem>>)
      %add3A_258 = arith.constant 1 : i32
      %add3A_259 = arith.addi %add3A_115, %add3A_258 : i32
      %mul3A_260 = arith.constant 8 : i32
      %mul3A_261 = arith.muli %add3A_259, %mul3A_260 : i32
      %add3A_262 = arith.constant 0 : i32
      %add3A_263 = arith.addi %mul3A_261, %add3A_262 : i32
      %dma_wait3A_264 = arith.constant 0 : i32
      %dma_wait3A_265 = arith.constant 0 : i32
      %dma_wait3A_266 = arith.constant 0 : i32
      %dma_wait3A_267 = tpu.memref_slice %arg9[%dma_wait3A_264, %dma_wait3A_265, %dma_wait3A_266] : memref<4x200x32xf32, #tpu.memory_space<vmem>> -> memref<1x100x32xf32, #tpu.memory_space<vmem>>
      %dma_wait3A_268 = tpu.memref_squeeze %dma_wait3A_267 : memref<1x100x32xf32, #tpu.memory_space<vmem>> -> memref<100x32xf32, #tpu.memory_space<vmem>>
      %dma_wait3A_269 = arith.constant 0 : i32
      %dma_wait3A_270 = tpu.memref_slice %arg6[%add3A_263, %dma_wait3A_269] : memref<256x100xi32, #tpu.memory_space<vmem>> -> memref<1x100xi32, #tpu.memory_space<vmem>>
      %dma_wait3A_271 = tpu.memref_squeeze %dma_wait3A_270 : memref<1x100xi32, #tpu.memory_space<vmem>> -> memref<100xi32, #tpu.memory_space<vmem>>
      %dma_wait3A_272 = arith.constant 0 : i32
      %dma_wait3A_273 = arith.constant 0 : i32
      %dma_wait3A_274 = tpu.memref_slice %arg3[%dma_wait3A_272, %dma_wait3A_273] : memref<1000000x32xf32, #tpu.memory_space<hbm>> -> memref<1000000x32xf32, #tpu.memory_space<hbm>>
      tpu.wait_indirect_dma semaphore(%arg10 : memref<!tpu.dma_semaphore, #tpu.memory_space<semaphore_mem>>) src(%dma_wait3A_274 : memref<1000000x32xf32, #tpu.memory_space<hbm>>) dst(%dma_wait3A_268 : memref<100x32xf32, #tpu.memory_space<vmem>>)
      %mul3A_275 = arith.constant 8 : i32
      %mul3A_276 = arith.muli %add3A_259, %mul3A_275 : i32
      %add3A_277 = arith.constant 1 : i32
      %add3A_278 = arith.addi %mul3A_276, %add3A_277 : i32
      %dma_wait3A_279 = arith.constant 0 : i32
      %dma_wait3A_280 = arith.constant 100 : i32
      %dma_wait3A_281 = arith.constant 0 : i32
      %dma_wait3A_282 = tpu.memref_slice %arg9[%dma_wait3A_279, %dma_wait3A_280, %dma_wait3A_281] : memref<4x200x32xf32, #tpu.memory_space<vmem>> -> memref<1x100x32xf32, #tpu.memory_space<vmem>>
      %dma_wait3A_283 = tpu.memref_squeeze %dma_wait3A_282 : memref<1x100x32xf32, #tpu.memory_space<vmem>> -> memref<100x32xf32, #tpu.memory_space<vmem>>
      %dma_wait3A_284 = arith.constant 0 : i32
      %dma_wait3A_285 = tpu.memref_slice %arg6[%add3A_278, %dma_wait3A_284] : memref<256x100xi32, #tpu.memory_space<vmem>> -> memref<1x100xi32, #tpu.memory_space<vmem>>
      %dma_wait3A_286 = tpu.memref_squeeze %dma_wait3A_285 : memref<1x100xi32, #tpu.memory_space<vmem>> -> memref<100xi32, #tpu.memory_space<vmem>>
      %dma_wait3A_287 = arith.constant 0 : i32
      %dma_wait3A_288 = arith.constant 0 : i32
      %dma_wait3A_289 = tpu.memref_slice %arg3[%dma_wait3A_287, %dma_wait3A_288] : memref<1000000x32xf32, #tpu.memory_space<hbm>> -> memref<1000000x32xf32, #tpu.memory_space<hbm>>
      tpu.wait_indirect_dma semaphore(%arg10 : memref<!tpu.dma_semaphore, #tpu.memory_space<semaphore_mem>>) src(%dma_wait3A_289 : memref<1000000x32xf32, #tpu.memory_space<hbm>>) dst(%dma_wait3A_283 : memref<100x32xf32, #tpu.memory_space<vmem>>)
      %mul3A_290 = arith.constant 8 : i32
      %mul3A_291 = arith.muli %add3A_259, %mul3A_290 : i32
      %add3A_292 = arith.constant 2 : i32
      %add3A_293 = arith.addi %mul3A_291, %add3A_292 : i32
      %dma_wait3A_294 = arith.constant 1 : i32
      %dma_wait3A_295 = arith.constant 0 : i32
      %dma_wait3A_296 = arith.constant 0 : i32
      %dma_wait3A_297 = tpu.memref_slice %arg9[%dma_wait3A_294, %dma_wait3A_295, %dma_wait3A_296] : memref<4x200x32xf32, #tpu.memory_space<vmem>> -> memref<1x100x32xf32, #tpu.memory_space<vmem>>
      %dma_wait3A_298 = tpu.memref_squeeze %dma_wait3A_297 : memref<1x100x32xf32, #tpu.memory_space<vmem>> -> memref<100x32xf32, #tpu.memory_space<vmem>>
      %dma_wait3A_299 = arith.constant 0 : i32
      %dma_wait3A_300 = tpu.memref_slice %arg6[%add3A_293, %dma_wait3A_299] : memref<256x100xi32, #tpu.memory_space<vmem>> -> memref<1x100xi32, #tpu.memory_space<vmem>>
      %dma_wait3A_301 = tpu.memref_squeeze %dma_wait3A_300 : memref<1x100xi32, #tpu.memory_space<vmem>> -> memref<100xi32, #tpu.memory_space<vmem>>
      %dma_wait3A_302 = arith.constant 0 : i32
      %dma_wait3A_303 = arith.constant 0 : i32
      %dma_wait3A_304 = tpu.memref_slice %arg3[%dma_wait3A_302, %dma_wait3A_303] : memref<1000000x32xf32, #tpu.memory_space<hbm>> -> memref<1000000x32xf32, #tpu.memory_space<hbm>>
      tpu.wait_indirect_dma semaphore(%arg10 : memref<!tpu.dma_semaphore, #tpu.memory_space<semaphore_mem>>) src(%dma_wait3A_304 : memref<1000000x32xf32, #tpu.memory_space<hbm>>) dst(%dma_wait3A_298 : memref<100x32xf32, #tpu.memory_space<vmem>>)
      %mul3A_305 = arith.constant 8 : i32
      %mul3A_306 = arith.muli %add3A_259, %mul3A_305 : i32
      %add3A_307 = arith.constant 3 : i32
      %add3A_308 = arith.addi %mul3A_306, %add3A_307 : i32
      %dma_wait3A_309 = arith.constant 1 : i32
      %dma_wait3A_310 = arith.constant 100 : i32
      %dma_wait3A_311 = arith.constant 0 : i32
      %dma_wait3A_312 = tpu.memref_slice %arg9[%dma_wait3A_309, %dma_wait3A_310, %dma_wait3A_311] : memref<4x200x32xf32, #tpu.memory_space<vmem>> -> memref<1x100x32xf32, #tpu.memory_space<vmem>>
      %dma_wait3A_313 = tpu.memref_squeeze %dma_wait3A_312 : memref<1x100x32xf32, #tpu.memory_space<vmem>> -> memref<100x32xf32, #tpu.memory_space<vmem>>
      %dma_wait3A_314 = arith.constant 0 : i32
      %dma_wait3A_315 = tpu.memref_slice %arg6[%add3A_308, %dma_wait3A_314] : memref<256x100xi32, #tpu.memory_space<vmem>> -> memref<1x100xi32, #tpu.memory_space<vmem>>
      %dma_wait3A_316 = tpu.memref_squeeze %dma_wait3A_315 : memref<1x100xi32, #tpu.memory_space<vmem>> -> memref<100xi32, #tpu.memory_space<vmem>>
      %dma_wait3A_317 = arith.constant 0 : i32
      %dma_wait3A_318 = arith.constant 0 : i32
      %dma_wait3A_319 = tpu.memref_slice %arg3[%dma_wait3A_317, %dma_wait3A_318] : memref<1000000x32xf32, #tpu.memory_space<hbm>> -> memref<1000000x32xf32, #tpu.memory_space<hbm>>
      tpu.wait_indirect_dma semaphore(%arg10 : memref<!tpu.dma_semaphore, #tpu.memory_space<semaphore_mem>>) src(%dma_wait3A_319 : memref<1000000x32xf32, #tpu.memory_space<hbm>>) dst(%dma_wait3A_313 : memref<100x32xf32, #tpu.memory_space<vmem>>)
      %mul3A_320 = arith.constant 8 : i32
      %mul3A_321 = arith.muli %add3A_259, %mul3A_320 : i32
      %add3A_322 = arith.constant 4 : i32
      %add3A_323 = arith.addi %mul3A_321, %add3A_322 : i32
      %dma_wait3A_324 = arith.constant 2 : i32
      %dma_wait3A_325 = arith.constant 0 : i32
      %dma_wait3A_326 = arith.constant 0 : i32
      %dma_wait3A_327 = tpu.memref_slice %arg9[%dma_wait3A_324, %dma_wait3A_325, %dma_wait3A_326] : memref<4x200x32xf32, #tpu.memory_space<vmem>> -> memref<1x100x32xf32, #tpu.memory_space<vmem>>
      %dma_wait3A_328 = tpu.memref_squeeze %dma_wait3A_327 : memref<1x100x32xf32, #tpu.memory_space<vmem>> -> memref<100x32xf32, #tpu.memory_space<vmem>>
      %dma_wait3A_329 = arith.constant 0 : i32
      %dma_wait3A_330 = tpu.memref_slice %arg6[%add3A_323, %dma_wait3A_329] : memref<256x100xi32, #tpu.memory_space<vmem>> -> memref<1x100xi32, #tpu.memory_space<vmem>>
      %dma_wait3A_331 = tpu.memref_squeeze %dma_wait3A_330 : memref<1x100xi32, #tpu.memory_space<vmem>> -> memref<100xi32, #tpu.memory_space<vmem>>
      %dma_wait3A_332 = arith.constant 0 : i32
      %dma_wait3A_333 = arith.constant 0 : i32
      %dma_wait3A_334 = tpu.memref_slice %arg3[%dma_wait3A_332, %dma_wait3A_333] : memref<1000000x32xf32, #tpu.memory_space<hbm>> -> memref<1000000x32xf32, #tpu.memory_space<hbm>>
      tpu.wait_indirect_dma semaphore(%arg10 : memref<!tpu.dma_semaphore, #tpu.memory_space<semaphore_mem>>) src(%dma_wait3A_334 : memref<1000000x32xf32, #tpu.memory_space<hbm>>) dst(%dma_wait3A_328 : memref<100x32xf32, #tpu.memory_space<vmem>>)
      %mul3A_335 = arith.constant 8 : i32
      %mul3A_336 = arith.muli %add3A_259, %mul3A_335 : i32
      %add3A_337 = arith.constant 5 : i32
      %add3A_338 = arith.addi %mul3A_336, %add3A_337 : i32
      %dma_wait3A_339 = arith.constant 2 : i32
      %dma_wait3A_340 = arith.constant 100 : i32
      %dma_wait3A_341 = arith.constant 0 : i32
      %dma_wait3A_342 = tpu.memref_slice %arg9[%dma_wait3A_339, %dma_wait3A_340, %dma_wait3A_341] : memref<4x200x32xf32, #tpu.memory_space<vmem>> -> memref<1x100x32xf32, #tpu.memory_space<vmem>>
      %dma_wait3A_343 = tpu.memref_squeeze %dma_wait3A_342 : memref<1x100x32xf32, #tpu.memory_space<vmem>> -> memref<100x32xf32, #tpu.memory_space<vmem>>
      %dma_wait3A_344 = arith.constant 0 : i32
      %dma_wait3A_345 = tpu.memref_slice %arg6[%add3A_338, %dma_wait3A_344] : memref<256x100xi32, #tpu.memory_space<vmem>> -> memref<1x100xi32, #tpu.memory_space<vmem>>
      %dma_wait3A_346 = tpu.memref_squeeze %dma_wait3A_345 : memref<1x100xi32, #tpu.memory_space<vmem>> -> memref<100xi32, #tpu.memory_space<vmem>>
      %dma_wait3A_347 = arith.constant 0 : i32
      %dma_wait3A_348 = arith.constant 0 : i32
      %dma_wait3A_349 = tpu.memref_slice %arg3[%dma_wait3A_347, %dma_wait3A_348] : memref<1000000x32xf32, #tpu.memory_space<hbm>> -> memref<1000000x32xf32, #tpu.memory_space<hbm>>
      tpu.wait_indirect_dma semaphore(%arg10 : memref<!tpu.dma_semaphore, #tpu.memory_space<semaphore_mem>>) src(%dma_wait3A_349 : memref<1000000x32xf32, #tpu.memory_space<hbm>>) dst(%dma_wait3A_343 : memref<100x32xf32, #tpu.memory_space<vmem>>)
      %mul3A_350 = arith.constant 8 : i32
      %mul3A_351 = arith.muli %add3A_259, %mul3A_350 : i32
      %add3A_352 = arith.constant 6 : i32
      %add3A_353 = arith.addi %mul3A_351, %add3A_352 : i32
      %dma_wait3A_354 = arith.constant 3 : i32
      %dma_wait3A_355 = arith.constant 0 : i32
      %dma_wait3A_356 = arith.constant 0 : i32
      %dma_wait3A_357 = tpu.memref_slice %arg9[%dma_wait3A_354, %dma_wait3A_355, %dma_wait3A_356] : memref<4x200x32xf32, #tpu.memory_space<vmem>> -> memref<1x100x32xf32, #tpu.memory_space<vmem>>
      %dma_wait3A_358 = tpu.memref_squeeze %dma_wait3A_357 : memref<1x100x32xf32, #tpu.memory_space<vmem>> -> memref<100x32xf32, #tpu.memory_space<vmem>>
      %dma_wait3A_359 = arith.constant 0 : i32
      %dma_wait3A_360 = tpu.memref_slice %arg6[%add3A_353, %dma_wait3A_359] : memref<256x100xi32, #tpu.memory_space<vmem>> -> memref<1x100xi32, #tpu.memory_space<vmem>>
      %dma_wait3A_361 = tpu.memref_squeeze %dma_wait3A_360 : memref<1x100xi32, #tpu.memory_space<vmem>> -> memref<100xi32, #tpu.memory_space<vmem>>
      %dma_wait3A_362 = arith.constant 0 : i32
      %dma_wait3A_363 = arith.constant 0 : i32
      %dma_wait3A_364 = tpu.memref_slice %arg3[%dma_wait3A_362, %dma_wait3A_363] : memref<1000000x32xf32, #tpu.memory_space<hbm>> -> memref<1000000x32xf32, #tpu.memory_space<hbm>>
      tpu.wait_indirect_dma semaphore(%arg10 : memref<!tpu.dma_semaphore, #tpu.memory_space<semaphore_mem>>) src(%dma_wait3A_364 : memref<1000000x32xf32, #tpu.memory_space<hbm>>) dst(%dma_wait3A_358 : memref<100x32xf32, #tpu.memory_space<vmem>>)
      %mul3A_365 = arith.constant 8 : i32
      %mul3A_366 = arith.muli %add3A_259, %mul3A_365 : i32
      %add3A_367 = arith.constant 7 : i32
      %add3A_368 = arith.addi %mul3A_366, %add3A_367 : i32
      %dma_wait3A_369 = arith.constant 3 : i32
      %dma_wait3A_370 = arith.constant 100 : i32
      %dma_wait3A_371 = arith.constant 0 : i32
      %dma_wait3A_372 = tpu.memref_slice %arg9[%dma_wait3A_369, %dma_wait3A_370, %dma_wait3A_371] : memref<4x200x32xf32, #tpu.memory_space<vmem>> -> memref<1x100x32xf32, #tpu.memory_space<vmem>>
      %dma_wait3A_373 = tpu.memref_squeeze %dma_wait3A_372 : memref<1x100x32xf32, #tpu.memory_space<vmem>> -> memref<100x32xf32, #tpu.memory_space<vmem>>
      %dma_wait3A_374 = arith.constant 0 : i32
      %dma_wait3A_375 = tpu.memref_slice %arg6[%add3A_368, %dma_wait3A_374] : memref<256x100xi32, #tpu.memory_space<vmem>> -> memref<1x100xi32, #tpu.memory_space<vmem>>
      %dma_wait3A_376 = tpu.memref_squeeze %dma_wait3A_375 : memref<1x100xi32, #tpu.memory_space<vmem>> -> memref<100xi32, #tpu.memory_space<vmem>>
      %dma_wait3A_377 = arith.constant 0 : i32
      %dma_wait3A_378 = arith.constant 0 : i32
      %dma_wait3A_379 = tpu.memref_slice %arg3[%dma_wait3A_377, %dma_wait3A_378] : memref<1000000x32xf32, #tpu.memory_space<hbm>> -> memref<1000000x32xf32, #tpu.memory_space<hbm>>
      tpu.wait_indirect_dma semaphore(%arg10 : memref<!tpu.dma_semaphore, #tpu.memory_space<semaphore_mem>>) src(%dma_wait3A_379 : memref<1000000x32xf32, #tpu.memory_space<hbm>>) dst(%dma_wait3A_373 : memref<100x32xf32, #tpu.memory_space<vmem>>)
      %gt3A_380 = arith.constant 0 : i32
      %gt3A_381 = arith.cmpi sgt, %add3A_259, %gt3A_380 : i32
      %convert_element_type3A_382 = arith.extui %gt3A_381 : i1 to i32
      %cond3A_383 = arith.constant 0 : i32
      %cond3A_384 = arith.cmpi ne, %convert_element_type3A_382, %cond3A_383 : i32
      scf.if %cond3A_384 {
        %sub3A = arith.constant 1 : i32
        %sub3A_404 = arith.subi %add3A_259, %sub3A : i32
        %mul3A_405 = arith.constant 4 : i32
        %mul3A_406 = arith.muli %sub3A_404, %mul3A_405 : i32
        %add3A_407 = arith.addi %mul3A_4, %mul3A_406 : i32
        %dma_wait3A_408 = arith.constant 0 : i32
        %dma_wait3A_409 = arith.constant 0 : i32
        %dma_wait3A_410 = tpu.memref_slice %arg5[%add3A_407, %dma_wait3A_408, %dma_wait3A_409] : memref<4096x200x128xf32, #tpu.memory_space<hbm>> -> memref<4x200x32xf32, #tpu.memory_space<hbm>>
        %dma_wait3A_411 = arith.constant 0 : i32
        %dma_wait3A_412 = arith.constant 0 : i32
        %dma_wait3A_413 = tpu.memref_slice %arg5[%add3A_407, %dma_wait3A_411, %dma_wait3A_412] : memref<4096x200x128xf32, #tpu.memory_space<hbm>> -> memref<4x200x32xf32, #tpu.memory_space<hbm>>
        tpu.wait_dma2 semaphore(%arg11 : memref<!tpu.dma_semaphore, #tpu.memory_space<semaphore_mem>>) src(%arg8 : memref<4x200x32xf32, #tpu.memory_space<vmem>>) dst(%dma_wait3A_413 : memref<4x200x32xf32, #tpu.memory_space<hbm>>)
      } else {
      }
      %lt3A_385 = arith.constant 31 : i32
      %lt3A_386 = arith.cmpi slt, %add3A_259, %lt3A_385 : i32
      %convert_element_type3A_387 = arith.extui %lt3A_386 : i1 to i32
      %cond3A_388 = arith.constant 0 : i32
      %cond3A_389 = arith.cmpi ne, %convert_element_type3A_387, %cond3A_388 : i32
      scf.if %cond3A_389 {
        %add3A_404 = arith.constant 1 : i32
        %add3A_405 = arith.addi %add3A_259, %add3A_404 : i32
        %mul3A_406 = arith.constant 8 : i32
        %mul3A_407 = arith.muli %add3A_405, %mul3A_406 : i32
        %add3A_408 = arith.constant 0 : i32
        %add3A_409 = arith.addi %mul3A_407, %add3A_408 : i32
        %dma_start3A_410 = arith.constant 0 : i32
        %dma_start3A_411 = arith.constant 0 : i32
        %dma_start3A_412 = arith.constant 0 : i32
        %dma_start3A_413 = tpu.memref_slice %arg8[%dma_start3A_410, %dma_start3A_411, %dma_start3A_412] : memref<4x200x32xf32, #tpu.memory_space<vmem>> -> memref<1x100x32xf32, #tpu.memory_space<vmem>>
        %dma_start3A_414 = tpu.memref_squeeze %dma_start3A_413 : memref<1x100x32xf32, #tpu.memory_space<vmem>> -> memref<100x32xf32, #tpu.memory_space<vmem>>
        %dma_start3A_415 = arith.constant 0 : i32
        %dma_start3A_416 = tpu.memref_slice %arg6[%add3A_409, %dma_start3A_415] : memref<256x100xi32, #tpu.memory_space<vmem>> -> memref<1x100xi32, #tpu.memory_space<vmem>>
        %dma_start3A_417 = tpu.memref_squeeze %dma_start3A_416 : memref<1x100xi32, #tpu.memory_space<vmem>> -> memref<100xi32, #tpu.memory_space<vmem>>
        %dma_start3A_418 = arith.constant 0 : i32
        %dma_start3A_419 = arith.constant 0 : i32
        %dma_start3A_420 = tpu.memref_slice %arg3[%dma_start3A_418, %dma_start3A_419] : memref<1000000x32xf32, #tpu.memory_space<hbm>> -> memref<1000000x32xf32, #tpu.memory_space<hbm>>
        tpu.enqueue_indirect_dma source(%dma_start3A_420 : memref<1000000x32xf32, #tpu.memory_space<hbm>>) target(%dma_start3A_414 : memref<100x32xf32, #tpu.memory_space<vmem>>) offsets(%dma_start3A_417 : memref<100xi32, #tpu.memory_space<vmem>>) semaphore(%arg10 : memref<!tpu.dma_semaphore, #tpu.memory_space<semaphore_mem>>)
        %mul3A_421 = arith.constant 8 : i32
        %mul3A_422 = arith.muli %add3A_405, %mul3A_421 : i32
        %add3A_423 = arith.constant 1 : i32
        %add3A_424 = arith.addi %mul3A_422, %add3A_423 : i32
        %dma_start3A_425 = arith.constant 0 : i32
        %dma_start3A_426 = arith.constant 100 : i32
        %dma_start3A_427 = arith.constant 0 : i32
        %dma_start3A_428 = tpu.memref_slice %arg8[%dma_start3A_425, %dma_start3A_426, %dma_start3A_427] : memref<4x200x32xf32, #tpu.memory_space<vmem>> -> memref<1x100x32xf32, #tpu.memory_space<vmem>>
        %dma_start3A_429 = tpu.memref_squeeze %dma_start3A_428 : memref<1x100x32xf32, #tpu.memory_space<vmem>> -> memref<100x32xf32, #tpu.memory_space<vmem>>
        %dma_start3A_430 = arith.constant 0 : i32
        %dma_start3A_431 = tpu.memref_slice %arg6[%add3A_424, %dma_start3A_430] : memref<256x100xi32, #tpu.memory_space<vmem>> -> memref<1x100xi32, #tpu.memory_space<vmem>>
        %dma_start3A_432 = tpu.memref_squeeze %dma_start3A_431 : memref<1x100xi32, #tpu.memory_space<vmem>> -> memref<100xi32, #tpu.memory_space<vmem>>
        %dma_start3A_433 = arith.constant 0 : i32
        %dma_start3A_434 = arith.constant 0 : i32
        %dma_start3A_435 = tpu.memref_slice %arg3[%dma_start3A_433, %dma_start3A_434] : memref<1000000x32xf32, #tpu.memory_space<hbm>> -> memref<1000000x32xf32, #tpu.memory_space<hbm>>
        tpu.enqueue_indirect_dma source(%dma_start3A_435 : memref<1000000x32xf32, #tpu.memory_space<hbm>>) target(%dma_start3A_429 : memref<100x32xf32, #tpu.memory_space<vmem>>) offsets(%dma_start3A_432 : memref<100xi32, #tpu.memory_space<vmem>>) semaphore(%arg10 : memref<!tpu.dma_semaphore, #tpu.memory_space<semaphore_mem>>)
        %mul3A_436 = arith.constant 8 : i32
        %mul3A_437 = arith.muli %add3A_405, %mul3A_436 : i32
        %add3A_438 = arith.constant 2 : i32
        %add3A_439 = arith.addi %mul3A_437, %add3A_438 : i32
        %dma_start3A_440 = arith.constant 1 : i32
        %dma_start3A_441 = arith.constant 0 : i32
        %dma_start3A_442 = arith.constant 0 : i32
        %dma_start3A_443 = tpu.memref_slice %arg8[%dma_start3A_440, %dma_start3A_441, %dma_start3A_442] : memref<4x200x32xf32, #tpu.memory_space<vmem>> -> memref<1x100x32xf32, #tpu.memory_space<vmem>>
        %dma_start3A_444 = tpu.memref_squeeze %dma_start3A_443 : memref<1x100x32xf32, #tpu.memory_space<vmem>> -> memref<100x32xf32, #tpu.memory_space<vmem>>
        %dma_start3A_445 = arith.constant 0 : i32
        %dma_start3A_446 = tpu.memref_slice %arg6[%add3A_439, %dma_start3A_445] : memref<256x100xi32, #tpu.memory_space<vmem>> -> memref<1x100xi32, #tpu.memory_space<vmem>>
        %dma_start3A_447 = tpu.memref_squeeze %dma_start3A_446 : memref<1x100xi32, #tpu.memory_space<vmem>> -> memref<100xi32, #tpu.memory_space<vmem>>
        %dma_start3A_448 = arith.constant 0 : i32
        %dma_start3A_449 = arith.constant 0 : i32
        %dma_start3A_450 = tpu.memref_slice %arg3[%dma_start3A_448, %dma_start3A_449] : memref<1000000x32xf32, #tpu.memory_space<hbm>> -> memref<1000000x32xf32, #tpu.memory_space<hbm>>
        tpu.enqueue_indirect_dma source(%dma_start3A_450 : memref<1000000x32xf32, #tpu.memory_space<hbm>>) target(%dma_start3A_444 : memref<100x32xf32, #tpu.memory_space<vmem>>) offsets(%dma_start3A_447 : memref<100xi32, #tpu.memory_space<vmem>>) semaphore(%arg10 : memref<!tpu.dma_semaphore, #tpu.memory_space<semaphore_mem>>)
        %mul3A_451 = arith.constant 8 : i32
        %mul3A_452 = arith.muli %add3A_405, %mul3A_451 : i32
        %add3A_453 = arith.constant 3 : i32
        %add3A_454 = arith.addi %mul3A_452, %add3A_453 : i32
        %dma_start3A_455 = arith.constant 1 : i32
        %dma_start3A_456 = arith.constant 100 : i32
        %dma_start3A_457 = arith.constant 0 : i32
        %dma_start3A_458 = tpu.memref_slice %arg8[%dma_start3A_455, %dma_start3A_456, %dma_start3A_457] : memref<4x200x32xf32, #tpu.memory_space<vmem>> -> memref<1x100x32xf32, #tpu.memory_space<vmem>>
        %dma_start3A_459 = tpu.memref_squeeze %dma_start3A_458 : memref<1x100x32xf32, #tpu.memory_space<vmem>> -> memref<100x32xf32, #tpu.memory_space<vmem>>
        %dma_start3A_460 = arith.constant 0 : i32
        %dma_start3A_461 = tpu.memref_slice %arg6[%add3A_454, %dma_start3A_460] : memref<256x100xi32, #tpu.memory_space<vmem>> -> memref<1x100xi32, #tpu.memory_space<vmem>>
        %dma_start3A_462 = tpu.memref_squeeze %dma_start3A_461 : memref<1x100xi32, #tpu.memory_space<vmem>> -> memref<100xi32, #tpu.memory_space<vmem>>
        %dma_start3A_463 = arith.constant 0 : i32
        %dma_start3A_464 = arith.constant 0 : i32
        %dma_start3A_465 = tpu.memref_slice %arg3[%dma_start3A_463, %dma_start3A_464] : memref<1000000x32xf32, #tpu.memory_space<hbm>> -> memref<1000000x32xf32, #tpu.memory_space<hbm>>
        tpu.enqueue_indirect_dma source(%dma_start3A_465 : memref<1000000x32xf32, #tpu.memory_space<hbm>>) target(%dma_start3A_459 : memref<100x32xf32, #tpu.memory_space<vmem>>) offsets(%dma_start3A_462 : memref<100xi32, #tpu.memory_space<vmem>>) semaphore(%arg10 : memref<!tpu.dma_semaphore, #tpu.memory_space<semaphore_mem>>)
        %mul3A_466 = arith.constant 8 : i32
        %mul3A_467 = arith.muli %add3A_405, %mul3A_466 : i32
        %add3A_468 = arith.constant 4 : i32
        %add3A_469 = arith.addi %mul3A_467, %add3A_468 : i32
        %dma_start3A_470 = arith.constant 2 : i32
        %dma_start3A_471 = arith.constant 0 : i32
        %dma_start3A_472 = arith.constant 0 : i32
        %dma_start3A_473 = tpu.memref_slice %arg8[%dma_start3A_470, %dma_start3A_471, %dma_start3A_472] : memref<4x200x32xf32, #tpu.memory_space<vmem>> -> memref<1x100x32xf32, #tpu.memory_space<vmem>>
        %dma_start3A_474 = tpu.memref_squeeze %dma_start3A_473 : memref<1x100x32xf32, #tpu.memory_space<vmem>> -> memref<100x32xf32, #tpu.memory_space<vmem>>
        %dma_start3A_475 = arith.constant 0 : i32
        %dma_start3A_476 = tpu.memref_slice %arg6[%add3A_469, %dma_start3A_475] : memref<256x100xi32, #tpu.memory_space<vmem>> -> memref<1x100xi32, #tpu.memory_space<vmem>>
        %dma_start3A_477 = tpu.memref_squeeze %dma_start3A_476 : memref<1x100xi32, #tpu.memory_space<vmem>> -> memref<100xi32, #tpu.memory_space<vmem>>
        %dma_start3A_478 = arith.constant 0 : i32
        %dma_start3A_479 = arith.constant 0 : i32
        %dma_start3A_480 = tpu.memref_slice %arg3[%dma_start3A_478, %dma_start3A_479] : memref<1000000x32xf32, #tpu.memory_space<hbm>> -> memref<1000000x32xf32, #tpu.memory_space<hbm>>
        tpu.enqueue_indirect_dma source(%dma_start3A_480 : memref<1000000x32xf32, #tpu.memory_space<hbm>>) target(%dma_start3A_474 : memref<100x32xf32, #tpu.memory_space<vmem>>) offsets(%dma_start3A_477 : memref<100xi32, #tpu.memory_space<vmem>>) semaphore(%arg10 : memref<!tpu.dma_semaphore, #tpu.memory_space<semaphore_mem>>)
        %mul3A_481 = arith.constant 8 : i32
        %mul3A_482 = arith.muli %add3A_405, %mul3A_481 : i32
        %add3A_483 = arith.constant 5 : i32
        %add3A_484 = arith.addi %mul3A_482, %add3A_483 : i32
        %dma_start3A_485 = arith.constant 2 : i32
        %dma_start3A_486 = arith.constant 100 : i32
        %dma_start3A_487 = arith.constant 0 : i32
        %dma_start3A_488 = tpu.memref_slice %arg8[%dma_start3A_485, %dma_start3A_486, %dma_start3A_487] : memref<4x200x32xf32, #tpu.memory_space<vmem>> -> memref<1x100x32xf32, #tpu.memory_space<vmem>>
        %dma_start3A_489 = tpu.memref_squeeze %dma_start3A_488 : memref<1x100x32xf32, #tpu.memory_space<vmem>> -> memref<100x32xf32, #tpu.memory_space<vmem>>
        %dma_start3A_490 = arith.constant 0 : i32
        %dma_start3A_491 = tpu.memref_slice %arg6[%add3A_484, %dma_start3A_490] : memref<256x100xi32, #tpu.memory_space<vmem>> -> memref<1x100xi32, #tpu.memory_space<vmem>>
        %dma_start3A_492 = tpu.memref_squeeze %dma_start3A_491 : memref<1x100xi32, #tpu.memory_space<vmem>> -> memref<100xi32, #tpu.memory_space<vmem>>
        %dma_start3A_493 = arith.constant 0 : i32
        %dma_start3A_494 = arith.constant 0 : i32
        %dma_start3A_495 = tpu.memref_slice %arg3[%dma_start3A_493, %dma_start3A_494] : memref<1000000x32xf32, #tpu.memory_space<hbm>> -> memref<1000000x32xf32, #tpu.memory_space<hbm>>
        tpu.enqueue_indirect_dma source(%dma_start3A_495 : memref<1000000x32xf32, #tpu.memory_space<hbm>>) target(%dma_start3A_489 : memref<100x32xf32, #tpu.memory_space<vmem>>) offsets(%dma_start3A_492 : memref<100xi32, #tpu.memory_space<vmem>>) semaphore(%arg10 : memref<!tpu.dma_semaphore, #tpu.memory_space<semaphore_mem>>)
        %mul3A_496 = arith.constant 8 : i32
        %mul3A_497 = arith.muli %add3A_405, %mul3A_496 : i32
        %add3A_498 = arith.constant 6 : i32
        %add3A_499 = arith.addi %mul3A_497, %add3A_498 : i32
        %dma_start3A_500 = arith.constant 3 : i32
        %dma_start3A_501 = arith.constant 0 : i32
        %dma_start3A_502 = arith.constant 0 : i32
        %dma_start3A_503 = tpu.memref_slice %arg8[%dma_start3A_500, %dma_start3A_501, %dma_start3A_502] : memref<4x200x32xf32, #tpu.memory_space<vmem>> -> memref<1x100x32xf32, #tpu.memory_space<vmem>>
        %dma_start3A_504 = tpu.memref_squeeze %dma_start3A_503 : memref<1x100x32xf32, #tpu.memory_space<vmem>> -> memref<100x32xf32, #tpu.memory_space<vmem>>
        %dma_start3A_505 = arith.constant 0 : i32
        %dma_start3A_506 = tpu.memref_slice %arg6[%add3A_499, %dma_start3A_505] : memref<256x100xi32, #tpu.memory_space<vmem>> -> memref<1x100xi32, #tpu.memory_space<vmem>>
        %dma_start3A_507 = tpu.memref_squeeze %dma_start3A_506 : memref<1x100xi32, #tpu.memory_space<vmem>> -> memref<100xi32, #tpu.memory_space<vmem>>
        %dma_start3A_508 = arith.constant 0 : i32
        %dma_start3A_509 = arith.constant 0 : i32
        %dma_start3A_510 = tpu.memref_slice %arg3[%dma_start3A_508, %dma_start3A_509] : memref<1000000x32xf32, #tpu.memory_space<hbm>> -> memref<1000000x32xf32, #tpu.memory_space<hbm>>
        tpu.enqueue_indirect_dma source(%dma_start3A_510 : memref<1000000x32xf32, #tpu.memory_space<hbm>>) target(%dma_start3A_504 : memref<100x32xf32, #tpu.memory_space<vmem>>) offsets(%dma_start3A_507 : memref<100xi32, #tpu.memory_space<vmem>>) semaphore(%arg10 : memref<!tpu.dma_semaphore, #tpu.memory_space<semaphore_mem>>)
        %mul3A_511 = arith.constant 8 : i32
        %mul3A_512 = arith.muli %add3A_405, %mul3A_511 : i32
        %add3A_513 = arith.constant 7 : i32
        %add3A_514 = arith.addi %mul3A_512, %add3A_513 : i32
        %dma_start3A_515 = arith.constant 3 : i32
        %dma_start3A_516 = arith.constant 100 : i32
        %dma_start3A_517 = arith.constant 0 : i32
        %dma_start3A_518 = tpu.memref_slice %arg8[%dma_start3A_515, %dma_start3A_516, %dma_start3A_517] : memref<4x200x32xf32, #tpu.memory_space<vmem>> -> memref<1x100x32xf32, #tpu.memory_space<vmem>>
        %dma_start3A_519 = tpu.memref_squeeze %dma_start3A_518 : memref<1x100x32xf32, #tpu.memory_space<vmem>> -> memref<100x32xf32, #tpu.memory_space<vmem>>
        %dma_start3A_520 = arith.constant 0 : i32
        %dma_start3A_521 = tpu.memref_slice %arg6[%add3A_514, %dma_start3A_520] : memref<256x100xi32, #tpu.memory_space<vmem>> -> memref<1x100xi32, #tpu.memory_space<vmem>>
        %dma_start3A_522 = tpu.memref_squeeze %dma_start3A_521 : memref<1x100xi32, #tpu.memory_space<vmem>> -> memref<100xi32, #tpu.memory_space<vmem>>
        %dma_start3A_523 = arith.constant 0 : i32
        %dma_start3A_524 = arith.constant 0 : i32
        %dma_start3A_525 = tpu.memref_slice %arg3[%dma_start3A_523, %dma_start3A_524] : memref<1000000x32xf32, #tpu.memory_space<hbm>> -> memref<1000000x32xf32, #tpu.memory_space<hbm>>
        tpu.enqueue_indirect_dma source(%dma_start3A_525 : memref<1000000x32xf32, #tpu.memory_space<hbm>>) target(%dma_start3A_519 : memref<100x32xf32, #tpu.memory_space<vmem>>) offsets(%dma_start3A_522 : memref<100xi32, #tpu.memory_space<vmem>>) semaphore(%arg10 : memref<!tpu.dma_semaphore, #tpu.memory_space<semaphore_mem>>)
      } else {
      }
      %scan3A_390 = arith.constant 0 : i32
      %scan3A_391 = arith.constant 200 : i32
      %scan3A_392 = arith.addi %scan3A_390, %scan3A_391 : i32
      %scan3A_393 = arith.constant 1 : i32
      scf.for %scan3A_404 = %scan3A_390 to %scan3A_392 step %scan3A_393  : i32 {
        %mul3A_405 = arith.constant 1 : i32
        %mul3A_406 = arith.muli %scan3A_404, %mul3A_405 : i32
        %add3A_407 = arith.constant 0 : i32
        %add3A_408 = arith.addi %add3A_407, %mul3A_406 : i32
        %get3A = arith.index_cast %add3A_408 : i32 to index
        %get3A_409 = arith.constant 0 : index
        %get3A_410 = tpu.vector_load %arg7[%get3A, %get3A_409] {strides = array<i32>} : memref<200x32xf32, #tpu.memory_space<vmem>>, vector<1x16xf32>,
        %get3A_411 = vector.shape_cast %get3A_410 : vector<1x16xf32> to vector<16xf32>
        %get3A_412 = arith.constant 0 : i32
        %get3A_413 = arith.index_cast %get3A_412 : i32 to index
        %get3A_414 = arith.index_cast %add3A_408 : i32 to index
        %get3A_415 = arith.constant 0 : index
        %get3A_416 = tpu.vector_load %arg9[%get3A_413, %get3A_414, %get3A_415] {strides = array<i32>} : memref<4x200x32xf32, #tpu.memory_space<vmem>>, vector<1x1x16xf32>,
        %get3A_417 = vector.shape_cast %get3A_416 : vector<1x1x16xf32> to vector<16xf32>
        %add3A_418 = arith.addf %get3A_417, %get3A_411 : vector<16xf32>
        %swap3A = arith.constant 0 : i32
        %swap3A_419 = arith.index_cast %swap3A : i32 to index
        %swap3A_420 = arith.index_cast %add3A_408 : i32 to index
        %swap3A_421 = arith.constant 0 : index
        %swap3A_422 = tpu.vector_load %arg9[%swap3A_419, %swap3A_420, %swap3A_421] {strides = array<i32>} : memref<4x200x32xf32, #tpu.memory_space<vmem>>, vector<1x1x16xf32>,
        %swap3A_423 = vector.shape_cast %swap3A_422 : vector<1x1x16xf32> to vector<16xf32>
        %swap3A_424 = vector.shape_cast %add3A_418 : vector<16xf32> to vector<1x1x16xf32>
        tpu.vector_store %arg9[%swap3A_419, %swap3A_420, %swap3A_421], %swap3A_424 {strides = array<i32>} : memref<4x200x32xf32, #tpu.memory_space<vmem>>, vector<1x1x16xf32>,
        %get3A_425 = arith.constant 1 : i32
        %get3A_426 = arith.index_cast %get3A_425 : i32 to index
        %get3A_427 = arith.index_cast %add3A_408 : i32 to index
        %get3A_428 = arith.constant 0 : index
        %get3A_429 = tpu.vector_load %arg9[%get3A_426, %get3A_427, %get3A_428] {strides = array<i32>} : memref<4x200x32xf32, #tpu.memory_space<vmem>>, vector<1x1x16xf32>,
        %get3A_430 = vector.shape_cast %get3A_429 : vector<1x1x16xf32> to vector<16xf32>
        %add3A_431 = arith.addf %get3A_430, %get3A_411 : vector<16xf32>
        %swap3A_432 = arith.constant 1 : i32
        %swap3A_433 = arith.index_cast %swap3A_432 : i32 to index
        %swap3A_434 = arith.index_cast %add3A_408 : i32 to index
        %swap3A_435 = arith.constant 0 : index
        %swap3A_436 = tpu.vector_load %arg9[%swap3A_433, %swap3A_434, %swap3A_435] {strides = array<i32>} : memref<4x200x32xf32, #tpu.memory_space<vmem>>, vector<1x1x16xf32>,
        %swap3A_437 = vector.shape_cast %swap3A_436 : vector<1x1x16xf32> to vector<16xf32>
        %swap3A_438 = vector.shape_cast %add3A_431 : vector<16xf32> to vector<1x1x16xf32>
        tpu.vector_store %arg9[%swap3A_433, %swap3A_434, %swap3A_435], %swap3A_438 {strides = array<i32>} : memref<4x200x32xf32, #tpu.memory_space<vmem>>, vector<1x1x16xf32>,
        %get3A_439 = arith.constant 2 : i32
        %get3A_440 = arith.index_cast %get3A_439 : i32 to index
        %get3A_441 = arith.index_cast %add3A_408 : i32 to index
        %get3A_442 = arith.constant 0 : index
        %get3A_443 = tpu.vector_load %arg9[%get3A_440, %get3A_441, %get3A_442] {strides = array<i32>} : memref<4x200x32xf32, #tpu.memory_space<vmem>>, vector<1x1x16xf32>,
        %get3A_444 = vector.shape_cast %get3A_443 : vector<1x1x16xf32> to vector<16xf32>
        %add3A_445 = arith.addf %get3A_444, %get3A_411 : vector<16xf32>
        %swap3A_446 = arith.constant 2 : i32
        %swap3A_447 = arith.index_cast %swap3A_446 : i32 to index
        %swap3A_448 = arith.index_cast %add3A_408 : i32 to index
        %swap3A_449 = arith.constant 0 : index
        %swap3A_450 = tpu.vector_load %arg9[%swap3A_447, %swap3A_448, %swap3A_449] {strides = array<i32>} : memref<4x200x32xf32, #tpu.memory_space<vmem>>, vector<1x1x16xf32>,
        %swap3A_451 = vector.shape_cast %swap3A_450 : vector<1x1x16xf32> to vector<16xf32>
        %swap3A_452 = vector.shape_cast %add3A_445 : vector<16xf32> to vector<1x1x16xf32>
        tpu.vector_store %arg9[%swap3A_447, %swap3A_448, %swap3A_449], %swap3A_452 {strides = array<i32>} : memref<4x200x32xf32, #tpu.memory_space<vmem>>, vector<1x1x16xf32>,
        %get3A_453 = arith.constant 3 : i32
        %get3A_454 = arith.index_cast %get3A_453 : i32 to index
        %get3A_455 = arith.index_cast %add3A_408 : i32 to index
        %get3A_456 = arith.constant 0 : index
        %get3A_457 = tpu.vector_load %arg9[%get3A_454, %get3A_455, %get3A_456] {strides = array<i32>} : memref<4x200x32xf32, #tpu.memory_space<vmem>>, vector<1x1x16xf32>,
        %get3A_458 = vector.shape_cast %get3A_457 : vector<1x1x16xf32> to vector<16xf32>
        %add3A_459 = arith.addf %get3A_458, %get3A_411 : vector<16xf32>
        %swap3A_460 = arith.constant 3 : i32
        %swap3A_461 = arith.index_cast %swap3A_460 : i32 to index
        %swap3A_462 = arith.index_cast %add3A_408 : i32 to index
        %swap3A_463 = arith.constant 0 : index
        %swap3A_464 = tpu.vector_load %arg9[%swap3A_461, %swap3A_462, %swap3A_463] {strides = array<i32>} : memref<4x200x32xf32, #tpu.memory_space<vmem>>, vector<1x1x16xf32>,
        %swap3A_465 = vector.shape_cast %swap3A_464 : vector<1x1x16xf32> to vector<16xf32>
        %swap3A_466 = vector.shape_cast %add3A_459 : vector<16xf32> to vector<1x1x16xf32>
        tpu.vector_store %arg9[%swap3A_461, %swap3A_462, %swap3A_463], %swap3A_466 {strides = array<i32>} : memref<4x200x32xf32, #tpu.memory_space<vmem>>, vector<1x1x16xf32>,
        %get3A_467 = arith.index_cast %add3A_408 : i32 to index
        %get3A_468 = arith.constant 16 : index
        %get3A_469 = tpu.vector_load %arg7[%get3A_467, %get3A_468] {strides = array<i32>} : memref<200x32xf32, #tpu.memory_space<vmem>>, vector<1x16xf32>,
        %get3A_470 = vector.shape_cast %get3A_469 : vector<1x16xf32> to vector<16xf32>
        %get3A_471 = arith.constant 0 : i32
        %get3A_472 = arith.index_cast %get3A_471 : i32 to index
        %get3A_473 = arith.index_cast %add3A_408 : i32 to index
        %get3A_474 = arith.constant 16 : index
        %get3A_475 = tpu.vector_load %arg9[%get3A_472, %get3A_473, %get3A_474] {strides = array<i32>} : memref<4x200x32xf32, #tpu.memory_space<vmem>>, vector<1x1x16xf32>,
        %get3A_476 = vector.shape_cast %get3A_475 : vector<1x1x16xf32> to vector<16xf32>
        %add3A_477 = arith.addf %get3A_476, %get3A_470 : vector<16xf32>
        %swap3A_478 = arith.constant 0 : i32
        %swap3A_479 = arith.index_cast %swap3A_478 : i32 to index
        %swap3A_480 = arith.index_cast %add3A_408 : i32 to index
        %swap3A_481 = arith.constant 16 : index
        %swap3A_482 = tpu.vector_load %arg9[%swap3A_479, %swap3A_480, %swap3A_481] {strides = array<i32>} : memref<4x200x32xf32, #tpu.memory_space<vmem>>, vector<1x1x16xf32>,
        %swap3A_483 = vector.shape_cast %swap3A_482 : vector<1x1x16xf32> to vector<16xf32>
        %swap3A_484 = vector.shape_cast %add3A_477 : vector<16xf32> to vector<1x1x16xf32>
        tpu.vector_store %arg9[%swap3A_479, %swap3A_480, %swap3A_481], %swap3A_484 {strides = array<i32>} : memref<4x200x32xf32, #tpu.memory_space<vmem>>, vector<1x1x16xf32>,
        %get3A_485 = arith.constant 1 : i32
        %get3A_486 = arith.index_cast %get3A_485 : i32 to index
        %get3A_487 = arith.index_cast %add3A_408 : i32 to index
        %get3A_488 = arith.constant 16 : index
        %get3A_489 = tpu.vector_load %arg9[%get3A_486, %get3A_487, %get3A_488] {strides = array<i32>} : memref<4x200x32xf32, #tpu.memory_space<vmem>>, vector<1x1x16xf32>,
        %get3A_490 = vector.shape_cast %get3A_489 : vector<1x1x16xf32> to vector<16xf32>
        %add3A_491 = arith.addf %get3A_490, %get3A_470 : vector<16xf32>
        %swap3A_492 = arith.constant 1 : i32
        %swap3A_493 = arith.index_cast %swap3A_492 : i32 to index
        %swap3A_494 = arith.index_cast %add3A_408 : i32 to index
        %swap3A_495 = arith.constant 16 : index
        %swap3A_496 = tpu.vector_load %arg9[%swap3A_493, %swap3A_494, %swap3A_495] {strides = array<i32>} : memref<4x200x32xf32, #tpu.memory_space<vmem>>, vector<1x1x16xf32>,
        %swap3A_497 = vector.shape_cast %swap3A_496 : vector<1x1x16xf32> to vector<16xf32>
        %swap3A_498 = vector.shape_cast %add3A_491 : vector<16xf32> to vector<1x1x16xf32>
        tpu.vector_store %arg9[%swap3A_493, %swap3A_494, %swap3A_495], %swap3A_498 {strides = array<i32>} : memref<4x200x32xf32, #tpu.memory_space<vmem>>, vector<1x1x16xf32>,
        %get3A_499 = arith.constant 2 : i32
        %get3A_500 = arith.index_cast %get3A_499 : i32 to index
        %get3A_501 = arith.index_cast %add3A_408 : i32 to index
        %get3A_502 = arith.constant 16 : index
        %get3A_503 = tpu.vector_load %arg9[%get3A_500, %get3A_501, %get3A_502] {strides = array<i32>} : memref<4x200x32xf32, #tpu.memory_space<vmem>>, vector<1x1x16xf32>,
        %get3A_504 = vector.shape_cast %get3A_503 : vector<1x1x16xf32> to vector<16xf32>
        %add3A_505 = arith.addf %get3A_504, %get3A_470 : vector<16xf32>
        %swap3A_506 = arith.constant 2 : i32
        %swap3A_507 = arith.index_cast %swap3A_506 : i32 to index
        %swap3A_508 = arith.index_cast %add3A_408 : i32 to index
        %swap3A_509 = arith.constant 16 : index
        %swap3A_510 = tpu.vector_load %arg9[%swap3A_507, %swap3A_508, %swap3A_509] {strides = array<i32>} : memref<4x200x32xf32, #tpu.memory_space<vmem>>, vector<1x1x16xf32>,
        %swap3A_511 = vector.shape_cast %swap3A_510 : vector<1x1x16xf32> to vector<16xf32>
        %swap3A_512 = vector.shape_cast %add3A_505 : vector<16xf32> to vector<1x1x16xf32>
        tpu.vector_store %arg9[%swap3A_507, %swap3A_508, %swap3A_509], %swap3A_512 {strides = array<i32>} : memref<4x200x32xf32, #tpu.memory_space<vmem>>, vector<1x1x16xf32>,
        %get3A_513 = arith.constant 3 : i32
        %get3A_514 = arith.index_cast %get3A_513 : i32 to index
        %get3A_515 = arith.index_cast %add3A_408 : i32 to index
        %get3A_516 = arith.constant 16 : index
        %get3A_517 = tpu.vector_load %arg9[%get3A_514, %get3A_515, %get3A_516] {strides = array<i32>} : memref<4x200x32xf32, #tpu.memory_space<vmem>>, vector<1x1x16xf32>,
        %get3A_518 = vector.shape_cast %get3A_517 : vector<1x1x16xf32> to vector<16xf32>
        %add3A_519 = arith.addf %get3A_518, %get3A_470 : vector<16xf32>
        %swap3A_520 = arith.constant 3 : i32
        %swap3A_521 = arith.index_cast %swap3A_520 : i32 to index
        %swap3A_522 = arith.index_cast %add3A_408 : i32 to index
        %swap3A_523 = arith.constant 16 : index
        %swap3A_524 = tpu.vector_load %arg9[%swap3A_521, %swap3A_522, %swap3A_523] {strides = array<i32>} : memref<4x200x32xf32, #tpu.memory_space<vmem>>, vector<1x1x16xf32>,
        %swap3A_525 = vector.shape_cast %swap3A_524 : vector<1x1x16xf32> to vector<16xf32>
        %swap3A_526 = vector.shape_cast %add3A_519 : vector<16xf32> to vector<1x1x16xf32>
        tpu.vector_store %arg9[%swap3A_521, %swap3A_522, %swap3A_523], %swap3A_526 {strides = array<i32>} : memref<4x200x32xf32, #tpu.memory_space<vmem>>, vector<1x1x16xf32>,
      }
      %scan3A_394 = arith.constant 200 : i32
      %mul3A_395 = arith.constant 4 : i32
      %mul3A_396 = arith.muli %add3A_259, %mul3A_395 : i32
      %add3A_397 = arith.addi %mul3A_4, %mul3A_396 : i32
      %dma_start3A_398 = arith.constant 0 : i32
      %dma_start3A_399 = arith.constant 0 : i32
      %dma_start3A_400 = tpu.memref_slice %arg5[%add3A_397, %dma_start3A_398, %dma_start3A_399] : memref<4096x200x128xf32, #tpu.memory_space<hbm>> -> memref<4x200x32xf32, #tpu.memory_space<hbm>>
      %dma_start3A_401 = arith.constant 0 : i32
      %dma_start3A_402 = arith.constant 0 : i32
      %dma_start3A_403 = tpu.memref_slice %arg5[%add3A_397, %dma_start3A_401, %dma_start3A_402] : memref<4096x200x128xf32, #tpu.memory_space<hbm>> -> memref<4x200x32xf32, #tpu.memory_space<hbm>>
      tpu.enqueue_dma source(%arg9 : memref<4x200x32xf32, #tpu.memory_space<vmem>>) target(%dma_start3A_403 : memref<4x200x32xf32, #tpu.memory_space<hbm>>) target_semaphore(%arg11 : memref<!tpu.dma_semaphore, #tpu.memory_space<semaphore_mem>>)
    }
    %scan3A_103 = arith.constant 16 : i32
    %add3A_104 = arith.constant 124 : i32
    %add3A_105 = arith.addi %mul3A_4, %add3A_104 : i32
    %dma_wait3A = arith.constant 0 : i32
    %dma_wait3A_106 = arith.constant 0 : i32
    %dma_wait3A_107 = tpu.memref_slice %arg5[%add3A_105, %dma_wait3A, %dma_wait3A_106] : memref<4096x200x128xf32, #tpu.memory_space<hbm>> -> memref<4x200x32xf32, #tpu.memory_space<hbm>>
    %dma_wait3A_108 = arith.constant 0 : i32
    %dma_wait3A_109 = arith.constant 0 : i32
    %dma_wait3A_110 = tpu.memref_slice %arg5[%add3A_105, %dma_wait3A_108, %dma_wait3A_109] : memref<4096x200x128xf32, #tpu.memory_space<hbm>> -> memref<4x200x32xf32, #tpu.memory_space<hbm>>
    tpu.wait_dma2 semaphore(%arg11 : memref<!tpu.dma_semaphore, #tpu.memory_space<semaphore_mem>>) src(%arg9 : memref<4x200x32xf32, #tpu.memory_space<vmem>>) dst(%dma_wait3A_110 : memref<4x200x32xf32, #tpu.memory_space<hbm>>)
    return
  }
}

</mosaic_0001>

<sc_bundles>
// kernel: kernel.3.cloned.1.call-start
scs
__scs_entry_jumppad:
0x0: {  	(pc) =	sbr.rel $0x88, $3  }
0x1: {  	(tag) =	ssettag $0x0;
	lr =	simm.s32 $0x1  }
0x2: {  	[smem:$0x3F9E] =	sst lr;
	_ =	strace $0xD0000000  }
0x3: {  	_ = 	snop  }
0x4: {  	_ = 	snop  }
0x5: {  	_ = 	snop  }
0x6: {  	_ = 	snop  }
0x7: {  	_ = 	snop  }
__scs_overlays_trampoline_lowered:
0x8: {  	[smem:$0x3FAD] =	sst s0  }
0x9: {  	[smem:$0x3FAE] =	sst s1  }
0xa: {  	[smem:$0x3FAF] =	sst s2  }
0xb: {  	[smem:$0x3FB0] =	sst s3  }
0xc: {  	[smem:$0x3FB1] =	sst s4  }
0xd: {  	[smem:$0x3FB2] =	sst s5  }
0xe: {  	[smem:$0x3FB3] =	sst s6  }
0xf: {  	[smem:$0x3FB4] =	sst s7  }
0x10: {  	[smem:$0x3FB5] =	sst s8  }
0x11: {  	[smem:$0x3FB6] =	sst s9;
	s0 =	simm.s32 @!p0 $0x0  }
0x12: {  	s1 =	sld [smem:$0x3F9C];
	s0 =	simm.s32 @p0 $0x1  }
0x13: {  	[smem:$0x3FB7] =	sst s0;
	s0 =	simm.s32 @!p1 $0x0  }
0x14: {  	s2 =	sld [smem:$0x3F9B];
	s0 =	simm.s32 @p1 $0x1  }
0x15: {  	[smem:$0x3FB8] =	sst s0;
	s0 =	simm.s32 @!p2 $0x0  }
0x16: {  	s3 =	sld [smem:$0x3FDB];
	s0 =	simm.s32 @p2 $0x1  }
0x17: {  	s4 =	simm.s32 $0x1BF5;
	[smem:$0x3FBA] =	sst s0  }
0x18: {  	s0 =	sld [smem:$0x3F9D];
	_ =	swait.ge [sflag:s4], $0x0  }
0x19: {  	s7 =	sld [smem:$0x3F9E]  }
0x1a: {  	s8 =	sadd.s32 $0xFFFFE003, lr  }
0x1b: {  	s9 =	sadd.s32 $0xFFFFFEF7, lr;
	s5 =	simm.s32 $0xFFFFFFFF;
	p2 =	slt.u32 s8, $0xFFFFF086  }
0x1c: {  	p1 =	slt.u32 s9, $0xF7A;
	s5 =	simm.s32 @!p2 $0x0  }
0x1d: {  	s5 =	simm.s32 @p1 $0x1;
	p0 =	seq.s32 s7, s2  }
0x1e: {  	s7 =	smul.u32 @!p0 $0xF7A, s2;
	p2 =	seq.s32 @!p0 s5, $0x0  }
0x1f: {  	s9 =	smul.u32 $0xF7A, s1;
	s8 =	simm.s32 @!p0 $0x1BF5;
	p2 =	por !p2, p0  }
0x20: {  	[sflag:s8] =	ssyncset.s32 @!p0 $0xFFFFF086;
	s6 =	sadd.s32 @!p0 s3, s7;
	s7 =	simm.s32 @!p0 $0x108  }
0x21: {  	s3 =	sadd.s32 s3, s9;
	s6 =	sadd.s32 @!p0 $0x88, s6;
	s7 =	simm.s32 @p2 $0x1082  }
0x22: {  	[simem:s7], [sflag:s8] =	dma.local @!p0 [hbm:s6], $0xF7A  }
0x23: {  	s9 =	sor.u32 $0xD0000000, s2;
	s6 =	simm.s32 $0x108;
	_ =	swait.ge @!p0 [sflag:s8], $0x0  }
0x24: {  	s3 =	sadd.s32 $0x88, s3;
	s6 =	simm.s32 @!p1 $0x1082;
	[sflag:s4] =	ssyncset.s32 $0xFFFFF086  }
0x25: {  	[simem:s6], [sflag:s4] =	dma.local [hbm:s3], $0xF7A  }
0x26: {  	[smem:$0x3F9E] =	sst s1;
	(tag) =	ssettag s2;
	_ =	strace s9  }
0x27: {  	s1 =	sld [smem:$0x3FAE]  }
0x28: {  	s2 =	sld [smem:$0x3FAF]  }
0x29: {  	s4 =	sld [smem:$0x3FB1]  }
0x2a: {  	p0 =	seq.s32 s5, $0x0;
	s5 =	sld [smem:$0x3FB2]  }
0x2b: {  	s6 =	sld [smem:$0x3FB3]  }
0x2c: {  	s7 =	sld [smem:$0x3FB4]  }
0x2d: {  	s3 =	simm.s32 $0x108;
	s8 =	sld [smem:$0x3FB5]  }
0x2e: {  	s3 =	simm.s32 @!p0 $0x1082;
	s9 =	sld [smem:$0x3FB6]  }
0x2f: {  	lr =	sadd.s32 s0, s3;
	s0 =	sld [smem:$0x3FAD]  }
0x30: {  	s3 =	sld [smem:$0x3FB0]  }
0x31: {  	[smem:$0x3FB9] =	sst s10  }
0x32: {  	s10 =	sld [smem:$0x3FB7];
	_ =	sdelay $0x3  }
0x33: {  	p0 =	seq.s32 s10, $0x1;
	s10 =	sld [smem:$0x3FB9];
	_ =	sdelay $0x3  }
0x34: {  	[smem:$0x3FB9] =	sst s10  }
0x35: {  	s10 =	sld [smem:$0x3FB8];
	_ =	sdelay $0x3  }
0x36: {  	p1 =	seq.s32 s10, $0x1;
	s10 =	sld [smem:$0x3FB9];
	_ =	sdelay $0x3  }
0x37: {  	[smem:$0x3FB9] =	sst s10  }
0x38: {  	s10 =	sld [smem:$0x3FBA]  }
0x39: {  	_ = 	snop;
	(pc) =	sbr.ind lr, $3  }
0x3a: {  	_ = 	snop  }
0x3b: {  	_ = 	snop  }
0x3c: {  	p2 =	seq.s32 s10, $0x1;
	s10 =	sld [smem:$0x3FB9]  }
0x3d: {  	_ =	shalt  }
0x3e: {  	_ =	shalt  }
0x3f: {  	_ =	shalt  }
0x40: {  	_ =	shalt  }
0x41: {  	_ =	shalt  }
0x42: {  	_ =	shalt  }
0x43: {  	_ =	shalt  }
0x44: {  	_ =	shalt  }
0x45: {  	_ =	shalt  }
0x46: {  	_ =	shalt  }
0x47: {  	_ =	shalt  }
0x48: {  	_ =	shalt  }
0x49: {  	_ =	shalt  }
0x4a: {  	_ =	shalt  }
0x4b: {  	_ =	shalt  }
0x4c: {  	_ =	shalt  }
0x4d: {  	_ =	shalt  }
0x4e: {  	_ =	shalt  }
0x4f: {  	_ =	shalt  }
0x50: {  	_ =	shalt  }
0x51: {  	_ =	shalt  }
0x52: {  	_ =	shalt  }
0x53: {  	_ =	shalt  }
0x54: {  	_ =	shalt  }
0x55: {  	_ =	shalt  }
0x56: {  	_ =	shalt  }
0x57: {  	_ =	shalt  }
0x58: {  	_ =	shalt  }
0x59: {  	_ =	shalt  }
0x5a: {  	_ =	shalt  }
0x5b: {  	_ =	shalt  }
0x5c: {  	_ =	shalt  }
0x5d: {  	_ =	shalt  }
0x5e: {  	_ =	shalt  }
0x5f: {  	_ =	shalt  }
0x60: {  	_ =	shalt  }
0x61: {  	_ =	shalt  }
0x62: {  	_ =	shalt  }
0x63: {  	_ =	shalt  }
0x64: {  	_ =	shalt  }
0x65: {  	_ =	shalt  }
0x66: {  	_ =	shalt  }
0x67: {  	_ =	shalt  }
0x68: {  	_ =	shalt  }
0x69: {  	_ =	shalt  }
0x6a: {  	_ =	shalt  }
0x6b: {  	_ =	shalt  }
0x6c: {  	_ =	shalt  }
0x6d: {  	_ =	shalt  }
0x6e: {  	_ =	shalt  }
0x6f: {  	_ =	shalt  }
0x70: {  	_ =	shalt  }
0x71: {  	_ =	shalt  }
0x72: {  	_ =	shalt  }
0x73: {  	_ =	shalt  }
0x74: {  	_ =	shalt  }
0x75: {  	_ =	shalt  }
0x76: {  	_ =	shalt  }
0x77: {  	_ =	shalt  }
0x78: {  	_ =	shalt  }
0x79: {  	_ =	shalt  }
0x7a: {  	_ =	shalt  }
0x7b: {  	_ =	shalt  }
0x7c: {  	_ =	shalt  }
0x7d: {  	_ =	shalt  }
0x7e: {  	_ =	shalt  }
0x7f: {  	_ =	shalt  }
0x80: {  	_ =	shalt  }
0x81: {  	_ =	shalt  }
0x82: {  	_ =	shalt  }
0x83: {  	_ =	shalt  }
0x84: {  	_ =	shalt  }
0x85: {  	_ =	shalt  }
0x86: {  	_ =	shalt  }
0x87: {  	_ =	shalt  }
.Lfunc_end0:
.L_simem_size_0:
called_computation.1_lowered:
.L_overlay_start_0:
0x88: {  	s2 =	sld [smem:$0x3FD9]  }
0x89: {  	s3 =	sld [smem:$0x3FFE];
	_ =	sdelay $0x1  }
0x8a: {  	s1 =	srdreg.scid  }
0x8b: {  	s0 =	sand.u32 $0x1, s1  }
0x8c: {  	s17 =	sshll.u32 s0, $0xA;
	s2 =	sadd.s32 s3, s2  }
0x8d: {  	s2 =	sadd.s32 s2, s17  }
0x8e: {  	[smem:$0x3FC5] =	sst s2  }
0x8f: {  	_ = 	snop  }
0x90: {  	s2 =	sld [smem:$0x3FD0];
	(tm) =	ssettm $0x1  }
0x91: {  	s18 =	sld [smem:$0x3FFB];
	_ =	sdelay $0x3  }
0x92: {  	_ =	strace s18  }
0x93: {  	s3 =	sld [smem:$0x3FFC];
	_ =	sdelay $0x3  }
0x94: {  	_ =	strace s3  }
0x95: {  	s3 =	sld [smem:$0x3FFD];
	_ =	sdelay $0x3  }
0x96: {  	_ =	strace s3  }
0x97: {  	_ =	strace $0x8FFFFFFF  }
0x98: {  	s19 =	sld [smem:$0x3FDB];
	_ =	sdelay $0x1  }
0x99: {  	s4 =	simm.s32 $_scs_section_size  }
0x9a: {  	s5 =	simm.s32 $_size__tile_overlayer_lowered;
	s6 =	simm.s32 $_tile_overlayer_lowered  }
0x9b: {  	s22 =	simm.s32 $0x1BFF;
	s21 =	sshll.u32 s6, $0x1;
	s3 =	sadd.s32 s4, s19  }
0x9c: {  	s7 =	simm.s32 $0x0;
	s20 =	sshll.u32 s5, $0x1;
	s5 =	sadd.s32 s21, s3  }
0x9d: {  	[timem:s7], [sflag:s22] =	dma.local [hbm:s5], s20  }
0x9e: {  	_ =	swait.ge [sflag:s22], s20  }
0x9f: {  	s4 =	ssub.s32 $0x0, s20;
	[sflag:s22] =	ssyncset.done $0x0  }
0xa0: {  	[sflag:s22] =	ssyncadd.s32 s4;
	_ =	sdelay $0x1  }
0xa1: {  	s23 =	simm.s32 $0x1B8B  }
0xa2: {  	_ =	swait.ge [sflag:s23], $0x1  }
0xa3: {  	[sflag:s23] =	ssyncset.done $0x0  }
0xa4: {  	s25 =	simm.s32 $0x1B8E;
	s24 =	sld [smem:$0x3FFE];
	[sflag:s23] =	ssyncadd.s32 $0xFFFFFFFF  }
0xa5: {  	s26 =	simm.s32 $execute0_lowered;
	[smem:$0x3FD2] =	sst s25  }
0xa6: {  	s5 =	sshll.u32 s26, $0x1;
	_ =	strace $0x80000046;
	[dreg:$0x1] =	wrdreg $0xFFFFFFFF  }
0xa7: {  	s28 =	simm.s32 $_size_execute0_lowered;
	s3 =	sadd.s32 s3, s5;
	[dreg:$0x0] =	wrdreg $0x0  }
0xa8: {  	s5 =	sshll.u32 s28, $0x1;
	[dreg:$0x2] =	wrdreg s3  }
0xa9: {  	[dreg:$0x3] =	wrdreg s5  }
0xaa: {  	[dreg:$0x4] =	wrdreg $0xC0  }
0xab: {  	_ =	task [dreg:s7], $0x5FFFF  }
0xac: {  	[dreg:$0x1] =	wrdreg $0xFFFFFFFF  }
0xad: {  	[dreg:$0x0] =	wrdreg $0x60  }
0xae: {  	[dreg:$0x2] =	wrdreg s2  }
0xaf: {  	[dreg:$0x3] =	wrdreg s24  }
0xb0: {  	[dreg:$0x4] =	wrdreg $0x9  }
0xb1: {  	_ =	task.clear_ibuf [dreg:s7], $0x5FFFF;
	_ =	strace $0x90000046  }
0xb2: {  	s29 =	simm.s32 $0x9;
	_ =	strace $0x80000048  }
0xb3: {  	_ =	swait.ge [sflag:s29], $0x1  }
0xb4: {  	[sflag:s29] =	ssyncadd.s32 $0xFFFFFFFF  }
0xb5: {  	_ =	strace $0x90000048  }
0xb6: {  	_ =	sfence  }
0xb7: {  	s30 =	sld [smem:$0x0];
	_ =	sdelay $0x2  }
0xb8: {  	s31 =	sshll.u32 s1, $0xD;
	s1 =	sshrl.u32 s1, $0x2  }
0xb9: {  	s3 =	sand.u32 $0x4000, s31;
	s1 =	sadd.s32 s1, s30  }
0xba: {  	s0 =	sor.u32 s3, s0;
	s1 =	sshll.u32 s1, $0x11  }
0xbb: {  	s0 =	sor.u32 s1, s0  }
0xbc: {  	s0 =	sadd.s32 $0x8F2B, s0  }
0xbd: {  	[sflag:s0] =	ssyncadd.remote.s32 $0x1  }
0xbe: {  	_ =	sfence.sel $0xFFFF  }
0xbf: {  	[dreg:$0x0] =	wrdreg $0xFFFFFFFF;
	(pc) =	sbr.abs _section_cstart, $3  }
0xc0: {  	[dreg:$0x1] =	wrdreg $0xFFFFFFFF  }
0xc1: {  	_ =	task.clear_ibuf [dreg:s7], $0x2FFFF;
	_ =	strace $0x9FFFFFFF  }
0xc2: {  	(tm) =	ssettm $0x7FFFFFFF  }
0xc3: {  	_ =	shalt  }
tec
execute0_lowered:
.L_overlay_start_1:
0x0: {  	(tag) =	ssettag $0x1  }
0x1: {  	s0 =	rddreg [dreg:$0x0]  }
0x2: {  	s1 =	rddreg [dreg:$0x1]  }
0x3: {  	s2 =	simm.s32 $0x0;
	s3 =	srdreg.scid;
	s5 =	stileid.u32  }
0x4: {  	s11 =	simm.s32 $0x64;
	s12 =	simm.s32 $0x8100;
	s25 =	simm.s32 $0x2D8  }
0x5: {  	s28 =	simm.s32 $0x1;
	s29 =	simm.s32 $0xE500;
	s30 =	simm.s32 $0xF180  }
0x6: {  	s31 =	simm.s32 $0xFE00;
	s10 =	simm.s32 $0x12380;
	s13 =	simm.s32 $0x13000  }
0x7: {  	s14 =	simm.s32 $0x13C80;
	s15 =	simm.s32 $0x20;
	s16 =	simm.s32 $0x80  }
0x8: {  	s17 =	simm.s32 $0x2;
	s18 =	simm.s32 $0x0;
	[smem:$0x7FF] =	sst s2  }
0x9: {  	s4 =	sand.u32 $0x1, s3;
	s5 =	sshll.u32 s5, $0x1;
	s3 =	sadd.s32 $0xF43000, s1  }
0xa: {  	_ =	strace $0x80000047;
	s6 =	ssub.s32 $0x2, s4;
	s7 =	sor.u32 s4, s5  }
0xb: {  	s4 =	sadd.s32 $0xC00, s1;
	s8 =	sshrl.u32 s6, $0x1;
	s9 =	smul.u32 $0xD00, s7  }
0xc: {  	s5 =	sadd.s32 $0x1000, s1;
	s1 =	simm.s32 $0x11700;
	s26 =	ssub.s32 s6, s8  }
0xd: {  	s6 =	sshll.u32 s7, $0x7;
	s7 =	sadd.s32 s0, s9;
	s8 =	smax.u32 s26, $0x1  }
0xe: {  	s9 =	simm.s32 $0x3;
	s26 =	simm.s32 $0xD880;
	s0 =	simm.s32 $0x10A80  }
.LBB2_1:
0xf: {  	[tilespmem:s2], [sflag:$0x3] =	stream.linear.gather [hbm4b:s7+s2], $0x6800, $0x38;
	[tilespmem:$0x14900] =	vst v63  }
0x10: {  	_ =	swait.ge [sflag:s9], $0x6800  }
0x11: {  	[sflag:s9] =	ssyncset.done $0x0  }
0x12: {  	s19 =	simm.s32 $0x6800;
	[sflag:s9] =	ssyncadd.s32 $0xFFFF9800  }
0x13: {  	[tilespmem:s19], [sflag:$0x3] =	stream.linear.gather [hbm4b:s4+s2], $0x1900, $0x38;
	[tilespmem:$0x14900] =	vst v63  }
0x14: {  	_ =	swait.ge [sflag:s9], $0x1900  }
0x15: {  	[sflag:s9] =	ssyncset.done $0x0  }
0x16: {  	[sflag:s9] =	ssyncadd.s32 $0xFFFFE700  }
0x17: {  	[tilespmem:s12], [sflag:$0x1] =	stream.indirect.gather [hbm4b:s3+s11], $0x20, s2, s11, $0xb8;
	[tilespmem:$0x14900] =	vst v63  }
0x18: {  	s22 =	simm.s32 $0x68;
	s20 =	simm.s32 $0x8D80  }
0x19: {  	[tilespmem:s20], [sflag:$0x1] =	stream.indirect.gather [hbm4b:s3+s11], $0x20, s22, s11, $0xb8;
	[tilespmem:$0x14900] =	vst v63  }
0x1a: {  	s23 =	simm.s32 $0xD0;
	s24 =	simm.s32 $0x9A00  }
0x1b: {  	[tilespmem:s24], [sflag:$0x1] =	stream.indirect.gather [hbm4b:s3+s11], $0x20, s23, s11, $0xb8;
	[tilespmem:$0x14900] =	vst v63  }
0x1c: {  	s21 =	simm.s32 $0x138;
	s22 =	simm.s32 $0xA680  }
0x1d: {  	[tilespmem:s22], [sflag:$0x1] =	stream.indirect.gather [hbm4b:s3+s11], $0x20, s21, s11, $0xb8;
	[tilespmem:$0x14900] =	vst v63  }
0x1e: {  	s23 =	simm.s32 $0x1A0;
	s24 =	simm.s32 $0xB300  }
0x1f: {  	[tilespmem:s24], [sflag:$0x1] =	stream.indirect.gather [hbm4b:s3+s11], $0x20, s23, s11, $0xb8;
	[tilespmem:$0x14900] =	vst v63  }
0x20: {  	s21 =	simm.s32 $0x208;
	s22 =	simm.s32 $0xBF80  }
0x21: {  	[tilespmem:s22], [sflag:$0x1] =	stream.indirect.gather [hbm4b:s3+s11], $0x20, s21, s11, $0xb8;
	[tilespmem:$0x14900] =	vst v63  }
0x22: {  	s23 =	simm.s32 $0x270;
	s24 =	simm.s32 $0xCC00  }
0x23: {  	[tilespmem:s24], [sflag:$0x1] =	stream.indirect.gather [hbm4b:s3+s11], $0x20, s23, s11, $0xb8;
	[tilespmem:$0x14900] =	vst v63  }
0x24: {  	s19 =	simm.s32 $0x0  }
0x25: {  	[tilespmem:s26], [sflag:$0x1] =	stream.indirect.gather [hbm4b:s3+s11], $0x20, s25, s11, $0xb8;
	[tilespmem:$0x14900] =	vst v63  }
.LBB2_2:
0x26: {  	_ =	swait.ge [sflag:s28], $0xC80  }
0x27: {  	[sflag:s28] =	ssyncset.done $0x0  }
0x28: {  	[sflag:s28] =	ssyncadd.s32 $0xFFFFF380  }
0x29: {  	_ =	swait.ge [sflag:s28], $0xC80  }
0x2a: {  	[sflag:s28] =	ssyncset.done $0x0  }
0x2b: {  	[sflag:s28] =	ssyncadd.s32 $0xFFFFF380  }
0x2c: {  	_ =	swait.ge [sflag:s28], $0xC80  }
0x2d: {  	[sflag:s28] =	ssyncset.done $0x0  }
0x2e: {  	[sflag:s28] =	ssyncadd.s32 $0xFFFFF380  }
0x2f: {  	_ =	swait.ge [sflag:s28], $0xC80  }
0x30: {  	[sflag:s28] =	ssyncset.done $0x0  }
0x31: {  	[sflag:s28] =	ssyncadd.s32 $0xFFFFF380  }
0x32: {  	_ =	swait.ge [sflag:s28], $0xC80  }
0x33: {  	[sflag:s28] =	ssyncset.done $0x0  }
0x34: {  	[sflag:s28] =	ssyncadd.s32 $0xFFFFF380  }
0x35: {  	_ =	swait.ge [sflag:s28], $0xC80  }
0x36: {  	[sflag:s28] =	ssyncset.done $0x0  }
0x37: {  	[sflag:s28] =	ssyncadd.s32 $0xFFFFF380  }
0x38: {  	_ =	swait.ge [sflag:s28], $0xC80  }
0x39: {  	[sflag:s28] =	ssyncset.done $0x0  }
0x3a: {  	[sflag:s28] =	ssyncadd.s32 $0xFFFFF380  }
0x3b: {  	_ =	swait.ge [sflag:s28], $0xC80  }
0x3c: {  	p0 =	seq.s32 s19, $0x0;
	[sflag:s28] =	ssyncset.done $0x0  }
0x3d: {  	s20 =	smul.u32 $0x1A00, s19;
	s21 =	simm.s32 @!p0 $0x2;
	[sflag:s28] =	ssyncadd.s32 $0xFFFFF380  }
0x3e: {  	_ =	swait.ge @!p0 [sflag:s21], $0x6400  }
0x3f: {  	s20 =	sshra.s32 s20, $0x2;
	[sflag:s21] =	ssyncset.done @!p0 $0x0  }
0x40: {  	s23 =	sadd.s32 $0x340, s20;
	[sflag:s21] =	ssyncadd.s32 @!p0 $0xFFFF9C00  }
0x41: {  	[tilespmem:s29], [sflag:$0x1] =	stream.indirect.gather [hbm4b:s3+s11], $0x20, s23, s11, $0xb8;
	[tilespmem:$0x14900] =	vst v63  }
0x42: {  	s24 =	sadd.s32 $0x3A8, s20  }
0x43: {  	[tilespmem:s30], [sflag:$0x1] =	stream.indirect.gather [hbm4b:s3+s11], $0x20, s24, s11, $0xb8;
	[tilespmem:$0x14900] =	vst v63  }
0x44: {  	s22 =	sadd.s32 $0x410, s20  }
0x45: {  	[tilespmem:s31], [sflag:$0x1] =	stream.indirect.gather [hbm4b:s3+s11], $0x20, s22, s11, $0xb8;
	[tilespmem:$0x14900] =	vst v63  }
0x46: {  	s23 =	sadd.s32 $0x478, s20  }
0x47: {  	[tilespmem:s0], [sflag:$0x1] =	stream.indirect.gather [hbm4b:s3+s11], $0x20, s23, s11, $0xb8;
	[tilespmem:$0x14900] =	vst v63  }
0x48: {  	s24 =	sadd.s32 $0x4E0, s20  }
0x49: {  	[tilespmem:s1], [sflag:$0x1] =	stream.indirect.gather [hbm4b:s3+s11], $0x20, s24, s11, $0xb8;
	[tilespmem:$0x14900] =	vst v63  }
0x4a: {  	s22 =	sadd.s32 $0x548, s20  }
0x4b: {  	[tilespmem:s10], [sflag:$0x1] =	stream.indirect.gather [hbm4b:s3+s11], $0x20, s22, s11, $0xb8;
	[tilespmem:$0x14900] =	vst v63  }
0x4c: {  	s23 =	sadd.s32 $0x5B0, s20  }
0x4d: {  	[tilespmem:s13], [sflag:$0x1] =	stream.indirect.gather [hbm4b:s3+s11], $0x20, s23, s11, $0xb8;
	[tilespmem:$0x14900] =	vst v63  }
0x4e: {  	s24 =	sadd.s32 $0x618, s20;
	s22 =	simm.s32 $0x0  }
0x4f: {  	[tilespmem:s14], [sflag:$0x1] =	stream.indirect.gather [hbm4b:s3+s11], $0x20, s24, s11, $0xb8;
	[tilespmem:$0x14900] =	vst v63  }
0x50: {  	v1 =	vld [tilespmem:s22+$0x6800]  }
0x51: {  	v0 =	vld [tilespmem:s22+$0x6810]  }
0x52: {  	v4 =	vld [tilespmem:s22+$0x8100]  }
0x53: {  	v7 =	vld [tilespmem:s22+$0x9A00]  }
0x54: {  	v6 =	vld [tilespmem:s22+$0xB300]  }
0x55: {  	v5 =	vld [tilespmem:s22+$0xCC00]  }
0x56: {  	v2 =	vld [tilespmem:s22+$0x8110]  }
0x57: {  	v3 =	vld [tilespmem:s22+$0x9A10];
	v8 =	vadd.f32 v4, v1  }
0x58: {  	s21 =	sshll.u32 s19, $0x1;
	s23 =	simm.s32 $0x80;
	v7 =	vadd.f32 v7, v1;
	v4 =	vld [tilespmem:s22+$0xB310]  }
.LBB2_3:
0x59: {  	s24 =	sshra.s32 s23, $0x2;
	p0 =	sne.s32 s23, $0x6380;
	[tilespmem:s22+$0x8100] =	vst v8;
	v6 =	vadd.f32 v6, v1;
	v8 =	vld [tilespmem:s22+$0xCC10]  }
0x5a: {  	[tilespmem:s22+$0x9A00] =	vst v7;
	v5 =	vadd.f32 v5, v1;
	v1 =	vld [tilespmem:s24+$0x6800]  }
0x5b: {  	v7 =	vld [tilespmem:s24+$0x6810];
	[tilespmem:s22+$0xB300] =	vst v6;
	v2 =	vadd.f32 v2, v0  }
0x5c: {  	v9 =	vld [tilespmem:s24+$0x8100];
	[tilespmem:s22+$0xCC00] =	vst v5;
	v3 =	vadd.f32 v3, v0  }
0x5d: {  	v10 =	vld [tilespmem:s24+$0x9A00];
	[tilespmem:s22+$0x8110] =	vst v2;
	v2 =	vadd.f32 v4, v0  }
.Ltmp0:
0x5e: {  	v6 =	vld [tilespmem:s24+$0xB300];
	[tilespmem:s22+$0x9A10] =	vst v3;
	v3 =	vadd.f32 v8, v0;
	(pc) =	sbr.rel @p0 .LBB2_3-.Ltmp0, $4  }
0x5f: {  	v5 =	vld [tilespmem:s24+$0xCC00];
	[tilespmem:s22+$0xB310] =	vst v2  }
0x60: {  	v2 =	vld [tilespmem:s24+$0x8110];
	[tilespmem:s22+$0xCC10] =	vst v3;
	v0 =	vmov v7;
	s22 =	smov.u32 s24  }
0x61: {  	v8 =	vadd.f32 v9, v1;
	v3 =	vld [tilespmem:s22+$0x9A10]  }
0x62: {  	s23 =	sadd.s32 $0x80, s23;
	v7 =	vadd.f32 v10, v1;
	v4 =	vld [tilespmem:s22+$0xB310]  }
0x63: {  	[tilespmem:s22+$0x8100] =	vst v8;
	v6 =	vadd.f32 v6, v1;
	v8 =	vld [tilespmem:s22+$0xCC10]  }
0x64: {  	[tilespmem:s22+$0x9A00] =	vst v7;
	v1 =	vadd.f32 v5, v1  }
0x65: {  	[tilespmem:s22+$0xB300] =	vst v6;
	v2 =	vadd.f32 v2, v0  }
0x66: {  	s23 =	sshll.u32 s19, $0x3;
	[tilespmem:s22+$0xCC00] =	vst v1;
	v1 =	vadd.f32 v3, v0  }
0x67: {  	s23 =	sadd.s32 s6, s23;
	[tilespmem:s22+$0x8110] =	vst v2;
	v2 =	vadd.f32 v4, v0  }
0x68: {  	s23 =	smul.u32 $0xC80, s23;
	[tilespmem:s22+$0x9A10] =	vst v1;
	v0 =	vadd.f32 v8, v0  }
0x69: {  	[tilespmem:s22+$0xB310] =	vst v2  }
0x6a: {  	s24 =	sadd.s32 s5, s23;
	[tilespmem:s22+$0xCC10] =	vst v0  }
0x6b: {  	[hbm4b:s24+s15] =	stream.strided.scatter [tilespmem:s12], [sflag:$0x2], $0x6400, s16, s15, $0x38;
	[tilespmem:$0x14900] =	vst v63  }
0x6c: {  	_ =	swait.ge [sflag:s28], $0xC80  }
0x6d: {  	[sflag:s28] =	ssyncset.done $0x0  }
0x6e: {  	[sflag:s28] =	ssyncadd.s32 $0xFFFFF380  }
0x6f: {  	_ =	swait.ge [sflag:s28], $0xC80  }
0x70: {  	[sflag:s28] =	ssyncset.done $0x0  }
0x71: {  	[sflag:s28] =	ssyncadd.s32 $0xFFFFF380  }
0x72: {  	_ =	swait.ge [sflag:s28], $0xC80  }
0x73: {  	[sflag:s28] =	ssyncset.done $0x0  }
0x74: {  	[sflag:s28] =	ssyncadd.s32 $0xFFFFF380  }
0x75: {  	_ =	swait.ge [sflag:s28], $0xC80  }
0x76: {  	[sflag:s28] =	ssyncset.done $0x0  }
0x77: {  	[sflag:s28] =	ssyncadd.s32 $0xFFFFF380  }
0x78: {  	_ =	swait.ge [sflag:s28], $0xC80  }
0x79: {  	[sflag:s28] =	ssyncset.done $0x0  }
0x7a: {  	[sflag:s28] =	ssyncadd.s32 $0xFFFFF380  }
0x7b: {  	_ =	swait.ge [sflag:s28], $0xC80  }
0x7c: {  	[sflag:s28] =	ssyncset.done $0x0  }
0x7d: {  	[sflag:s28] =	ssyncadd.s32 $0xFFFFF380  }
0x7e: {  	_ =	swait.ge [sflag:s28], $0xC80  }
0x7f: {  	[sflag:s28] =	ssyncset.done $0x0  }
0x80: {  	[sflag:s28] =	ssyncadd.s32 $0xFFFFF380  }
0x81: {  	_ =	swait.ge [sflag:s28], $0xC80  }
0x82: {  	[sflag:s28] =	ssyncset.done $0x0  }
0x83: {  	s21 =	sor.u32 $0x1, s21;
	[sflag:s28] =	ssyncadd.s32 $0xFFFFF380  }
0x84: {  	p0 =	sgt.u32 s21, $0x1E;
	_ =	swait.ge [sflag:s17], $0x6400  }
0x85: {  	s23 =	simm.s32 @!p0 $0x64;
	[sflag:s17] =	ssyncset.done $0x0  }
0x86: {  	s22 =	sadd.s32 @!p0 $0x680, s20;
	s24 =	simm.s32 @!p0 $0x8100;
	[sflag:s17] =	ssyncadd.s32 $0xFFFF9C00  }
0x87: {  	[tilespmem:s24], [sflag:$0x1] =	stream.indirect.gather @!p0 [hbm4b:s3+s23], $0x20, s22, s23, $0xb8;
	[tilespmem:$0x14900] =	vst v63  }
0x88: {  	s22 =	sadd.s32 @!p0 $0x6E8, s20;
	s24 =	simm.s32 @!p0 $0x8D80  }
0x89: {  	[tilespmem:s24], [sflag:$0x1] =	stream.indirect.gather @!p0 [hbm4b:s3+s23], $0x20, s22, s23, $0xb8;
	[tilespmem:$0x14900] =	vst v63  }
0x8a: {  	s22 =	sadd.s32 @!p0 $0x750, s20;
	s24 =	simm.s32 @!p0 $0x9A00  }
0x8b: {  	[tilespmem:s24], [sflag:$0x1] =	stream.indirect.gather @!p0 [hbm4b:s3+s23], $0x20, s22, s23, $0xb8;
	[tilespmem:$0x14900] =	vst v63  }
0x8c: {  	s22 =	sadd.s32 @!p0 $0x7B8, s20;
	s24 =	simm.s32 @!p0 $0xA680  }
0x8d: {  	[tilespmem:s24], [sflag:$0x1] =	stream.indirect.gather @!p0 [hbm4b:s3+s23], $0x20, s22, s23, $0xb8;
	[tilespmem:$0x14900] =	vst v63  }
0x8e: {  	s22 =	sadd.s32 @!p0 $0x820, s20;
	s24 =	simm.s32 @!p0 $0xB300  }
0x8f: {  	[tilespmem:s24], [sflag:$0x1] =	stream.indirect.gather @!p0 [hbm4b:s3+s23], $0x20, s22, s23, $0xb8;
	[tilespmem:$0x14900] =	vst v63  }
0x90: {  	s22 =	sadd.s32 @!p0 $0x888, s20;
	s24 =	simm.s32 @!p0 $0xBF80  }
0x91: {  	[tilespmem:s24], [sflag:$0x1] =	stream.indirect.gather @!p0 [hbm4b:s3+s23], $0x20, s22, s23, $0xb8;
	[tilespmem:$0x14900] =	vst v63  }
0x92: {  	s22 =	sadd.s32 @!p0 $0x8F0, s20;
	s24 =	simm.s32 @!p0 $0xCC00  }
0x93: {  	[tilespmem:s24], [sflag:$0x1] =	stream.indirect.gather @!p0 [hbm4b:s3+s23], $0x20, s22, s23, $0xb8;
	[tilespmem:$0x14900] =	vst v63  }
0x94: {  	s20 =	sadd.s32 @!p0 $0x958, s20;
	s22 =	simm.s32 @!p0 $0xD880  }
0x95: {  	[tilespmem:s22], [sflag:$0x1] =	stream.indirect.gather @!p0 [hbm4b:s3+s23], $0x20, s20, s23, $0xb8;
	[tilespmem:$0x14900] =	vst v63  }
0x96: {  	s20 =	simm.s32 $0x0  }
0x97: {  	v1 =	vld [tilespmem:s20+$0x6800]  }
0x98: {  	v0 =	vld [tilespmem:s20+$0x6810]  }
0x99: {  	v3 =	vld [tilespmem:s20+$0xE500]  }
0x9a: {  	v7 =	vld [tilespmem:s20+$0xFE00]  }
0x9b: {  	v6 =	vld [tilespmem:s20+$0x11700]  }
0x9c: {  	v5 =	vld [tilespmem:s20+$0x13000]  }
0x9d: {  	v2 =	vld [tilespmem:s20+$0xE510]  }
0x9e: {  	v4 =	vld [tilespmem:s20+$0xFE10];
	v8 =	vadd.f32 v3, v1  }
0x9f: {  	s22 =	simm.s32 $0x80;
	v7 =	vadd.f32 v7, v1;
	v3 =	vld [tilespmem:s20+$0x11710]  }
.LBB2_5:
0xa0: {  	s23 =	sshra.s32 s22, $0x2;
	p0 =	sne.s32 s22, $0x6380;
	[tilespmem:s20+$0xE500] =	vst v8;
	v6 =	vadd.f32 v6, v1;
	v8 =	vld [tilespmem:s20+$0x13010]  }
0xa1: {  	[tilespmem:s20+$0xFE00] =	vst v7;
	v5 =	vadd.f32 v5, v1;
	v1 =	vld [tilespmem:s23+$0x6800]  }
0xa2: {  	v7 =	vld [tilespmem:s23+$0x6810];
	[tilespmem:s20+$0x11700] =	vst v6;
	v2 =	vadd.f32 v2, v0  }
0xa3: {  	v9 =	vld [tilespmem:s23+$0xE500];
	[tilespmem:s20+$0x13000] =	vst v5;
	v4 =	vadd.f32 v4, v0  }
0xa4: {  	v10 =	vld [tilespmem:s23+$0xFE00];
	[tilespmem:s20+$0xE510] =	vst v2;
	v2 =	vadd.f32 v3, v0  }
.Ltmp1:
0xa5: {  	v6 =	vld [tilespmem:s23+$0x11700];
	[tilespmem:s20+$0xFE10] =	vst v4;
	v3 =	vadd.f32 v8, v0;
	(pc) =	sbr.rel @p0 .LBB2_5-.Ltmp1, $4  }
0xa6: {  	v5 =	vld [tilespmem:s23+$0x13000];
	[tilespmem:s20+$0x11710] =	vst v2  }
0xa7: {  	v2 =	vld [tilespmem:s23+$0xE510];
	[tilespmem:s20+$0x13010] =	vst v3;
	v0 =	vmov v7;
	s20 =	smov.u32 s23  }
0xa8: {  	v8 =	vadd.f32 v9, v1;
	v4 =	vld [tilespmem:s20+$0xFE10]  }
0xa9: {  	s22 =	sadd.s32 $0x80, s22;
	v7 =	vadd.f32 v10, v1;
	v3 =	vld [tilespmem:s20+$0x11710]  }
0xaa: {  	[tilespmem:s20+$0xE500] =	vst v8;
	v6 =	vadd.f32 v6, v1;
	v59 =	vld [tilespmem:s20+$0x13010]  }
0xab: {  	[tilespmem:s20+$0xFE00] =	vst v7;
	v60 =	vadd.f32 v5, v1  }
0xac: {  	s19 =	sadd.s32 $0x1, s19;
	[tilespmem:s20+$0x11700] =	vst v6;
	v2 =	vadd.f32 v2, v0  }
0xad: {  	s21 =	sshll.u32 s21, $0x2;
	p0 =	sne.s32 s19, $0x10;
	[tilespmem:s20+$0x13000] =	vst v60;
	v61 =	vadd.f32 v4, v0  }
.Ltmp2:
0xae: {  	s21 =	sadd.s32 s6, s21;
	[tilespmem:s20+$0xE510] =	vst v2;
	v62 =	vadd.f32 v3, v0;
	(pc) =	sbr.rel @p0 .LBB2_2-.Ltmp2, $4  }
0xaf: {  	s21 =	smul.u32 $0xC80, s21;
	[tilespmem:s20+$0xFE10] =	vst v61;
	v63 =	vadd.f32 v59, v0  }
0xb0: {  	[tilespmem:s20+$0x11710] =	vst v62  }
0xb1: {  	s24 =	sadd.s32 s5, s21;
	[tilespmem:s20+$0x13010] =	vst v63  }
0xb2: {  	[hbm4b:s24+s15] =	stream.strided.scatter [tilespmem:s29], [sflag:$0x2], $0x6400, s16, s15, $0x38;
	[tilespmem:$0x14900] =	vst v63  }
0xb3: {  	s18 =	sadd.s32 $0x1, s18  }
0xb4: {  	p0 =	sne.s32 s18, s8  }
.Ltmp3:
0xb5: {  	_ = 	snop;
	(pc) =	sbr.rel @p0 .LBB2_1-.Ltmp3, $4  }
0xb6: {  	_ = 	snop  }
0xb7: {  	_ =	swait.ge [sflag:s17], $0x6400  }
0xb8: {  	[sflag:s17] =	ssyncset.done $0x0  }
0xb9: {  	[sflag:s17] =	ssyncadd.s32 $0xFFFF9C00  }
0xba: {  	_ =	sfence.sel $0x180000  }
0xbb: {  	[bflag:$0x0] =	sbarrier.arrive $0xFFFF  }
0xbc: {  	_ =	strace $0x90000047  }
0xbd: {  	s0 =	stileid.u32;
	[bflag:$0x2] =	sbarrier.arrive $0xFFFF  }
0xbe: {  	p0 =	sne.s32 s0, $0x0;
	s0 =	rddreg [dreg:$0x2]  }
0xbf: {  	s0 =	sadd.s32 @!p0 $0x100000, s0  }
0xc0: {  	[sflag:s0] =	ssyncadd.tile.s32 @!p0 $0x1;
	_ =	shalt  }
.Lfunc_end2:
_tile_overlayer_lowered:
.L_overlay_start_2:
0xc1: {  	(tag) =	ssettag $0x2  }
0xc2: {  	s0 =	rddreg [dreg:$0x0];
	s2 =	stileid.u32  }
0xc3: {  	s1 =	rddreg [dreg:$0x1];
	p0 =	sne.s32 s2, $0x0  }
0xc4: {  	s3 =	rddreg [dreg:$0x2];
	[bflag:$0x3] =	sbarrier.arrive $0xFFFF;
	s2 =	simm.s32 @!p0 $0x1C03  }
0xc5: {  	[timem:s3], [sflag:s2] =	dma.local @!p0 [hbm:s0], s1  }
0xc6: {  	s0 =	simm.s32 @!p0 $0x3  }
0xc7: {  	_ =	swait.ge @!p0 [sflag:s0], s1  }
0xc8: {  	s1 =	ssub.s32 @!p0 $0x0, s1;
	[sflag:s0] =	ssyncset.done @!p0 $0x0  }
0xc9: {  	[sflag:s0] =	ssyncadd.s32 @!p0 s1  }
0xca: {  	[bflag:$0x3] =	sbarrier.arrive $0xFFFF  }
0xcb: {  	_ =	shalt  }

// kernel: sparse-core-data-format-call.cloned.1.call-start
scs
called_computation_lowered:
.L_overlay_start_0:
0x0: {  	s2 =	sld [smem:$0x3FD9]  }
0x1: {  	s3 =	sld [smem:$0x3FFE];
	_ =	sdelay $0x1  }
0x2: {  	s1 =	srdreg.scid  }
0x3: {  	s0 =	sand.u32 $0x1, s1  }
0x4: {  	s18 =	sshll.u32 s0, $0xA;
	s2 =	sadd.s32 s3, s2  }
0x5: {  	s2 =	sadd.s32 s2, s18  }
0x6: {  	[smem:$0x3FC5] =	sst s2  }
0x7: {  	_ = 	snop  }
0x8: {  	s2 =	sld [smem:$0x3FD0];
	(tm) =	ssettm $0x1  }
0x9: {  	s19 =	sld [smem:$0x3FFB];
	_ =	sdelay $0x3  }
0xa: {  	_ =	strace s19  }
0xb: {  	s3 =	sld [smem:$0x3FFC];
	_ =	sdelay $0x3  }
0xc: {  	_ =	strace s3  }
0xd: {  	s3 =	sld [smem:$0x3FFD];
	_ =	sdelay $0x3  }
0xe: {  	_ =	strace s3  }
0xf: {  	_ =	strace $0x8FFFFFFF  }
0x10: {  	s20 =	sld [smem:$0x3FDB];
	_ =	sdelay $0x1  }
0x11: {  	s4 =	simm.s32 $_scs_section_size  }
0x12: {  	s5 =	simm.s32 $_size__tile_overlayer_lowered;
	s6 =	simm.s32 $_tile_overlayer_lowered  }
0x13: {  	s23 =	simm.s32 $0x1BFF;
	s22 =	sshll.u32 s6, $0x1;
	s3 =	sadd.s32 s4, s20  }
0x14: {  	s7 =	simm.s32 $0x0;
	s21 =	sshll.u32 s5, $0x1;
	s5 =	sadd.s32 s22, s3  }
0x15: {  	[timem:s7], [sflag:s23] =	dma.local [hbm:s5], s21  }
0x16: {  	_ =	swait.ge [sflag:s23], s21  }
0x17: {  	s4 =	ssub.s32 $0x0, s21;
	[sflag:s23] =	ssyncset.done $0x0  }
0x18: {  	[sflag:s23] =	ssyncadd.s32 s4;
	_ =	sdelay $0x1  }
0x19: {  	s24 =	simm.s32 $0x1B8B  }
0x1a: {  	_ =	swait.ge [sflag:s24], $0x1  }
0x1b: {  	[sflag:s24] =	ssyncset.done $0x0  }
0x1c: {  	s26 =	simm.s32 $0x1B8E;
	s25 =	sld [smem:$0x3FFE];
	[sflag:s24] =	ssyncadd.s32 $0xFFFFFFFF  }
0x1d: {  	s27 =	simm.s32 $execute0_lowered;
	[smem:$0x3FD2] =	sst s26  }
0x1e: {  	s5 =	sshll.u32 s27, $0x1;
	_ =	strace $0x80000049;
	[dreg:$0x1] =	wrdreg $0xFFFFFFFF  }
0x1f: {  	s28 =	simm.s32 $_size_execute0_lowered;
	s3 =	sadd.s32 s3, s5;
	[dreg:$0x0] =	wrdreg $0x0  }
0x20: {  	s5 =	sshll.u32 s28, $0x1;
	[dreg:$0x2] =	wrdreg s3  }
0x21: {  	[dreg:$0x3] =	wrdreg s5  }
0x22: {  	[dreg:$0x4] =	wrdreg $0xC0  }
0x23: {  	_ =	task [dreg:s7], $0x5FFFF  }
0x24: {  	[dreg:$0x1] =	wrdreg $0xFFFFFFFF  }
0x25: {  	[dreg:$0x0] =	wrdreg $0x60  }
0x26: {  	[dreg:$0x2] =	wrdreg s25  }
0x27: {  	[dreg:$0x3] =	wrdreg s2  }
0x28: {  	[dreg:$0x4] =	wrdreg $0x9  }
0x29: {  	_ =	task.clear_ibuf [dreg:s7], $0x5FFFF;
	_ =	strace $0x90000049  }
0x2a: {  	s29 =	simm.s32 $0x9;
	_ =	strace $0x8000004B  }
0x2b: {  	_ =	swait.ge [sflag:s29], $0x1  }
0x2c: {  	[sflag:s29] =	ssyncadd.s32 $0xFFFFFFFF  }
0x2d: {  	_ =	strace $0x9000004B  }
0x2e: {  	_ =	sfence  }
0x2f: {  	s30 =	sld [smem:$0x0];
	_ =	sdelay $0x2  }
0x30: {  	s31 =	sshll.u32 s1, $0xD;
	s1 =	sshrl.u32 s1, $0x2  }
0x31: {  	s3 =	sand.u32 $0x4000, s31;
	s1 =	sadd.s32 s1, s30  }
0x32: {  	s0 =	sor.u32 s3, s0;
	s1 =	sshll.u32 s1, $0x11  }
0x33: {  	s0 =	sor.u32 s1, s0  }
0x34: {  	s0 =	sadd.s32 $0x8F2B, s0  }
0x35: {  	[sflag:s0] =	ssyncadd.remote.s32 $0x1  }
0x36: {  	_ =	sfence.sel $0xFFFF  }
0x37: {  	[dreg:$0x0] =	wrdreg $0xFFFFFFFF;
	(pc) =	sbr.abs _section_cstart, $3  }
0x38: {  	[dreg:$0x1] =	wrdreg $0xFFFFFFFF  }
0x39: {  	_ =	task.clear_ibuf [dreg:s7], $0x2FFFF;
	_ =	strace $0x9FFFFFFF  }
0x3a: {  	(tm) =	ssettm $0x7FFFFFFF  }
0x3b: {  	_ =	shalt  }
tec
execute0_lowered:
.L_overlay_start_1:
0x0: {  	(tag) =	ssettag $0x1  }
0x1: {  	s0 =	srdreg.scid  }
0x2: {  	s1 =	sshll.u32 s0, $0x4  }
0x3: {  	s0 =	stileid.u32;
	s1 =	sand.u32 $0x10, s1  }
0x4: {  	s1 =	sor.u32 s0, s1  }
0x5: {  	s6 =	rddreg [dreg:$0x0];
	s4 =	simm.s32 $0x1;
	s2 =	sshll.u32 s1, $0x7  }
0x6: {  	s7 =	simm.s32 $0x2;
	s12 =	simm.s32 $0x0;
	s1 =	ssub.s32 $0x1000, s2  }
0x7: {  	s8 =	simm.s32 $0x8000;
	s13 =	simm.s32 $0x0;
	s3 =	sand.u32 $0xF80, s1  }
0x8: {  	s9 =	simm.s32 $0x0;
	s5 =	sshrl.u32 s1, $0xC;
	p0 =	sne.s32 s3, $0x0  }
.Ltmp0:
0x9: {  	s1 =	rddreg [dreg:$0x2];
	s4 =	simm.s32 @!p0 $0x0;
	(pc) =	sbr.rel .LBB1_1-.Ltmp0, $4  }
0xa: {  	s11 =	simm.s32 $0x0;
	s3 =	rddreg [dreg:$0x1];
	s5 =	sadd.s32 s4, s5  }
0xb: {  	_ =	strace $0x8000004A;
	s4 =	simm.s32 $0x1;
	s5 =	smul.u32 $0xC8, s5  }
0xc: {  	s6 =	sadd.s32 $0x1000, s6;
	s10 =	smov.u32 s2;
	[sflag:s4] =	ssyncpa.u1 $0x0  }
0xd: {  	p0 =	por $0x0, $0x0;
	[sflag:s7] =	ssyncpa.u1 $0x0;
	s7 =	sor.u32 $0x1, s5  }
.LBB1_4:
0xe: {  	s16 =	sshll.u32 s13, $0x3;
	s17 =	sand.u32 $0x78, s13  }
0xf: {  	s30 =	sand.u32 $0x3E00, s13;
	s12 =	sshll.u32 s12, $0xE;
	s16 =	sand.u32 $0xC00, s16  }
0x10: {  	s31 =	sand.u32 $0x7, s13;
	s16 =	sor.u32 s17, s16;
	s17 =	sadd.s32 s3, s30  }
0x11: {  	s13 =	sshll.u32 s31, $0x12;
	s16 =	sshrl.u32 s16, $0x3;
	s12 =	sadd.s32 s12, s17  }
0x12: {  	[tilespmem:s15+$0x0 ss:$0x81] =	vst.msk $0xffff, v0;
	s13 =	sor.u32 $0x400, s13;
	s12 =	sadd.s32 s16, s12  }
0x13: {  	[hbm4b:s12+s13] =	stream.strided.scatter [tilespmem:s14], [sflag:$0x2], $0x1000, s8, s13, $0x20;
	[tilespmem:$0x4040] =	vst v63  }
.LBB1_5:
0x14: {  	s14 =	sadd.s32 $0x1, s9  }
0x15: {  	s12 =	sadd.s32 $0x1000, s10;
	s16 =	smov.u32 s10;
	p2 =	sgt.s32 s14, $0xC7  }
0x16: {  	s16 =	smov.u32 @p2 s12  }
0x17: {  	s14 =	simm.s32 @p2 $0x0;
	p2 =	sgt.s32 s16, $0xFFF  }
0x18: {  	s16 =	smov.u32 @p2 s2;
	p2 =	sne.s32 s11, s7  }
.Ltmp1:
0x19: {  	p1 =	slt.u32 s11, $0x2;
	(pc) =	sbr.rel @!p2 .LBB1_6-.Ltmp1, $4  }
0x1a: {  	s15 =	simm.s32 @!p1 $0x2  }
0x1b: {  	s13 =	smov.u32 s10;
	p0 =	por !p0, !p0;
	_ =	swait.ge @!p1 [sflag:s15], $0x1000  }
0x1c: {  	s12 =	smov.u32 s9;
	[sflag:s15] =	ssyncset.done @!p1 $0x0;
	s9 =	smov.u32 s14  }
0x1d: {  	s11 =	sadd.s32 $0x1, s11;
	[sflag:s15] =	ssyncadd.s32 @!p1 $0xFFFFF000;
	s10 =	smov.u32 s16  }
.LBB1_1:
0x1e: {  	p1 =	sge.u32 s11, s5  }
0x1f: {  	s14 =	sand.u32 @!p1 $0x1FFFFFF, s9  }
0x20: {  	s15 =	smulhi.u32 @!p1 $0x147AE15, s14;
	_ =	sdelay $0x1  }
0x21: {  	s15 =	smul.u32 @!p1 $0xC8, s15  }
0x22: {  	s16 =	sxor.u32 @!p1 $0xFFFFFFFF, s11;
	s17 =	smul.u32 @!p1 $0xC80, s10  }
0x23: {  	s31 =	sadd.s32 $0xFFFFFFFF, s11;
	s16 =	sshll.u32 @!p1 s16, $0xC;
	s14 =	ssub.s32 @!p1 s14, s15  }
0x24: {  	s15 =	sand.u32 @!p1 $0x1000, s16;
	s16 =	sadd.s32 @!p1 s6, s17;
	s14 =	sshll.u32 @!p1 s14, $0x4  }
0x25: {  	s17 =	simm.s32 @!p1 $0x6400;
	s14 =	sadd.s32 @!p1 s14, s16;
	s16 =	simm.s32 @!p1 $0x20  }
0x26: {  	[tilespmem:s15], [sflag:$0x1] =	stream.strided.gather @!p1 [hbm4b:s14+s16], $0x1000, s17, s16, $0x38;
	[tilespmem:$0x4040] =	vst v63  }
0x27: {  	p1 =	sge.u32 s31, s5  }
.Ltmp2:
0x28: {  	_ = 	snop;
	(pc) =	sbr.rel @p1 .LBB1_5-.Ltmp2, $1  }
0x29: {  	_ =	sdelay $0x3  }
0x2a: {  	s14 =	simm.s32 $0x1  }
0x2b: {  	_ =	swait.ge [sflag:s4], $0x1000;
	s14 =	simm.s32 @!p0 $0x0  }
0x2c: {  	[sflag:s4] =	ssyncset.done $0x0;
	s15 =	sshll.u32 s14, $0xC  }
0x2d: {  	[sflag:s4] =	ssyncadd.s32 $0xFFFFF000;
	s18 =	sor.u32 $0x10, s15  }
0x2e: {  	s14 =	smul.u32 $0x4080, s14;
	v1 =	vld [tilespmem:s18+$0x0]  }
0x2f: {  	s30 =	sand.u32 $0x1, s11;
	v0 =	vld [tilespmem:s18+$0xFFFFFFF0]  }
0x30: {  	s15 =	smul.u32 $0x4080, s30;
	s14 =	sshrl.u32 s14, $0x2  }
0x31: {  	s16 =	sor.u32 $0x2000, s14  }
0x32: {  	s31 =	sshrl.u32 s15, $0x2;
	s15 =	sadd.s32 $0x0, s16  }
0x33: {  	s17 =	simm.s32 $0x4;
	s18 =	sadd.s32 $0x20, s18;
	s14 =	sor.u32 $0x2000, s31;
	[tilespmem:s15+$0x810 ss:$0x81] =	vst.msk $0xffff, v1  }
.LBB1_3:
0x34: {  	v1 =	vld [tilespmem:s18+$0x0];
	p1 =	sne.s32 s17, $0x1FC;
	[tilespmem:s15+$0x0 ss:$0x81] =	vst.msk $0xffff, v0;
	s15 =	smov.u32 s17;
	s17 =	sadd.s32 $0x4, s17  }
.Ltmp3:
0x35: {  	v0 =	vld [tilespmem:s18+$0xFFFFFFF0];
	(pc) =	sbr.rel @p1 .LBB1_3-.Ltmp3, $4  }
0x36: {  	_ = 	snop  }
0x37: {  	s15 =	sshra.s32 s15, $0x2  }
0x38: {  	s15 =	sadd.s32 s15, s16  }
0x39: {  	s18 =	sadd.s32 $0x20, s18;
	[tilespmem:s15+$0x810 ss:$0x81] =	vst.msk $0xffff, v1  }
.Ltmp4:
0x3a: {  	_ = 	snop;
	(pc) =	sbr.rel .LBB1_4-.Ltmp4, $1  }
0x3b: {  	_ =	sdelay $0x3  }
.LBB1_6:
0x3c: {  	_ =	sfence.sel $0x180000  }
0x3d: {  	s2 =	simm.s32 $0x1;
	[bflag:$0x0] =	sbarrier.arrive $0xFFFF  }
0x3e: {  	s31 =	simm.s32 $0x2;
	[sflag:s2] =	ssyncpa.u1 $0x1  }
0x3f: {  	[sflag:s31] =	ssyncpa.u1 $0x1  }
0x40: {  	p0 =	sne.s32 s0, $0x0;
	_ =	strace $0x9000004A  }
0x41: {  	s0 =	sadd.s32 @!p0 $0x100000, s1;
	[bflag:$0x2] =	sbarrier.arrive $0xFFFF  }
0x42: {  	[sflag:s0] =	ssyncadd.tile.s32 @!p0 $0x1;
	_ =	shalt  }
.Lfunc_end1:
_tile_overlayer_lowered:
.L_overlay_start_2:
0x43: {  	(tag) =	ssettag $0x2  }
0x44: {  	s0 =	rddreg [dreg:$0x0];
	s2 =	stileid.u32  }
0x45: {  	s1 =	rddreg [dreg:$0x1];
	p0 =	sne.s32 s2, $0x0  }
0x46: {  	s3 =	rddreg [dreg:$0x2];
	[bflag:$0x3] =	sbarrier.arrive $0xFFFF;
	s2 =	simm.s32 @!p0 $0x1C01  }
0x47: {  	[timem:s3], [sflag:s2] =	dma.local @!p0 [hbm:s0], s1  }
0x48: {  	s0 =	simm.s32 @!p0 $0x1  }
0x49: {  	_ =	swait.ge @!p0 [sflag:s0], s1  }
0x4a: {  	s1 =	ssub.s32 @!p0 $0x0, s1;
	[sflag:s0] =	ssyncset.done @!p0 $0x0  }
0x4b: {  	[sflag:s0] =	ssyncadd.s32 @!p0 s1  }
0x4c: {  	[bflag:$0x3] =	sbarrier.arrive $0xFFFF  }
0x4d: {  	_ =	shalt  }

</sc_bundles>
